<compile_context>
chip_gen: v7x
topology: tpu7x:2x2x1
jax: 0.10.2.dev20260603
libtpu: 0.0.44.dev20260713+nightly
codegen_flags: <defaults>
</compile_context>

<pallas_src>
import functools

import jax
import jax.numpy as jnp
from jax import lax
from jax.experimental import pallas as pl
from jax.experimental.pallas import tpu as pltpu
from jax.experimental.pallas import tpu_sc as plsc

_NUM_CORES = 2
_NUM_SUBCORES = 16
_NUM_WORKERS = _NUM_CORES * _NUM_SUBCORES

_CHUNK = 16
_NBUF = 6
_B_PER_W = 1024
_N_CHUNKS = _B_PER_W // _CHUNK


def _make_gather(n_rows: int, d_model: int):
  mesh = plsc.VectorSubcoreMesh(core_axis_name="c", subcore_axis_name="s")

  @functools.partial(
      pl.kernel,
      mesh=mesh,
      out_type=jax.ShapeDtypeStruct((n_rows, d_model), jnp.float32),
      scratch_types=[
          pltpu.VMEM((_N_CHUNKS, _CHUNK), jnp.int32),
          pltpu.VMEM((_NBUF, _CHUNK, d_model), jnp.float32),
          [pltpu.SemaphoreType.DMA] * _NBUF,
          [pltpu.SemaphoreType.DMA] * _NBUF,
      ],
  )
  def gather_kernel(idx_hbm, table_hbm, out_hbm, idx_v, rows_v, gsems, wsems):
    wid = lax.axis_index("s") * _NUM_CORES + lax.axis_index("c")
    base = wid * _B_PER_W
    pltpu.sync_copy(idx_hbm.at[wid], idx_v)

    def g_copy(c, b):
      return pltpu.make_async_copy(
          table_hbm.at[idx_v.at[c]], rows_v.at[b], gsems[b])

    def w_copy(c, b):
      dst = out_hbm.at[pl.ds(base + c * _CHUNK, _CHUNK)]
      return pltpu.make_async_copy(rows_v.at[b], dst, wsems[b])

    for c in range(_NBUF - 1):
      g_copy(c, c).start()

    _MAIN = _N_CHUNKS - (_N_CHUNKS % _NBUF)

    @pl.loop(0, _MAIN, step=_NBUF)
    def _chunks(c0):
      for b in range(_NBUF):
        c = c0 + b
        g_copy(c, b).wait()
        w_copy(c, b).start()
        b2 = (b + _NBUF - 1) % _NBUF

        @pl.when(c > 0)
        def _():
          w_copy(c - 1, b2).wait()

        @pl.when(c + _NBUF - 1 < _N_CHUNKS)
        def _():
          g_copy(c + _NBUF - 1, b2).start()

    for c in range(_MAIN, _N_CHUNKS):
      b = c % _NBUF
      g_copy(c, b).wait()
      w_copy(c, b).start()
      w_copy(c - 1, (b + _NBUF - 1) % _NBUF).wait()

    w_copy(_N_CHUNKS - 1, (_N_CHUNKS - 1) % _NBUF).wait()

  return gather_kernel


def kernel(positions, table):
  b, t = positions.shape
  n = b * t
  idx = positions.reshape(_NUM_WORKERS, _N_CHUNKS, _CHUNK).astype(jnp.int32)
  out = _make_gather(n, table.shape[1])(idx, table)
  return out.reshape(b, t, table.shape[1])

# --- scband reference (transcript-rebuilt; emitter-appended) ---
"""Pipeline reference for scband-positional-encoding-3917010174700 (READ-ONLY COPY).

The authoritative reference and input builder live on the scoring server;
editing this copy changes nothing except your own understanding.
"""

import jax, jax.numpy as jnp
import numpy as np

MAX_LEN = 8192
D_MODEL = 1024

def setup_inputs(seed: int = 0) -> dict:
    key = jax.random.key(seed)
    k1, k2 = jax.random.split(key)
    positions = jax.random.randint(k1, (4, 8192), 0, MAX_LEN, dtype=jnp.int64 if jax.config.read('jax_enable_x64') else jnp.int32)
    table = jax.random.normal(k2, (MAX_LEN, D_MODEL), dtype=jnp.float32)
    return {"positions": positions, "table": table}

def reference(positions, table):
    # nn.Embedding lookup: gather rows of the table by position index
    return jnp.take(table, positions, axis=0)

if __name__ == "__main__":
    import jax
    _d = setup_inputs()
    print(jax.jit(kernel)(*tuple(_d.values())))

</pallas_src>

<mosaic_0001>
#map = affine_map<(d0, d1) -> (0, 0, 0)>
#map1 = affine_map<(d0, d1) -> (0, 0)>
module attributes {stable_mosaic.version = 14 : i64} {
  func.func @gather_kernel(%arg0: i32, %arg1: i32, %arg2: memref<32x64x16xi32, #tpu.memory_space<hbm>>, %arg3: memref<8192x1024xf32, #tpu.memory_space<hbm>>, %arg4: memref<32768x1024xf32, #tpu.memory_space<hbm>>, %arg5: memref<64x16xi32, #tpu.memory_space<vmem>>, %arg6: memref<6x16x1024xf32, #tpu.memory_space<vmem>>, %arg7: memref<!tpu.dma_semaphore, #tpu.memory_space<semaphore_mem>>, %arg8: memref<!tpu.dma_semaphore, #tpu.memory_space<semaphore_mem>>, %arg9: memref<!tpu.dma_semaphore, #tpu.memory_space<semaphore_mem>>, %arg10: memref<!tpu.dma_semaphore, #tpu.memory_space<semaphore_mem>>, %arg11: memref<!tpu.dma_semaphore, #tpu.memory_space<semaphore_mem>>, %arg12: memref<!tpu.dma_semaphore, #tpu.memory_space<semaphore_mem>>, %arg13: memref<!tpu.dma_semaphore, #tpu.memory_space<semaphore_mem>>, %arg14: memref<!tpu.dma_semaphore, #tpu.memory_space<semaphore_mem>>, %arg15: memref<!tpu.dma_semaphore, #tpu.memory_space<semaphore_mem>>, %arg16: memref<!tpu.dma_semaphore, #tpu.memory_space<semaphore_mem>>, %arg17: memref<!tpu.dma_semaphore, #tpu.memory_space<semaphore_mem>>, %arg18: memref<!tpu.dma_semaphore, #tpu.memory_space<semaphore_mem>>) attributes {dimension_semantics = [#tpu.dimension_semantics<core_parallel>, #tpu.dimension_semantics<subcore_parallel>], iteration_bounds = array<i64: 2, 16>, scalar_prefetch = 0 : i64, scratch_operands = 14 : i64, tpu.core_type = #tpu.core_type<sc_vector_subcore>, window_params = [{transform_indices = #map}, {transform_indices = #map1}, {transform_indices = #map1}]} {
    %mul3A = arith.constant 2 : i32
    %mul3A_0 = arith.muli %arg1, %mul3A : i32
    %add3A = arith.addi %mul3A_0, %arg0 : i32
    %mul3A_1 = arith.constant 1024 : i32
    %mul3A_2 = arith.muli %add3A, %mul3A_1 : i32
    "tpu.region"() ({
      %run_scoped3A = tpu.sem_alloc : memref<!tpu.dma_semaphore, #tpu.memory_space<semaphore_mem>>
      %dma_start3A_248 = arith.constant 0 : i32
      %dma_start3A_249 = arith.constant 0 : i32
      %dma_start3A_250 = tpu.memref_slice %arg2[%add3A, %dma_start3A_248, %dma_start3A_249] : memref<32x64x16xi32, #tpu.memory_space<hbm>> -> memref<1x64x16xi32, #tpu.memory_space<hbm>>
      %dma_start3A_251 = tpu.memref_squeeze %dma_start3A_250 : memref<1x64x16xi32, #tpu.memory_space<hbm>> -> memref<64x16xi32, #tpu.memory_space<hbm>>
      %dma_start3A_252 = arith.constant 0 : i32
      %dma_start3A_253 = arith.constant 0 : i32
      %dma_start3A_254 = tpu.memref_slice %arg2[%add3A, %dma_start3A_252, %dma_start3A_253] : memref<32x64x16xi32, #tpu.memory_space<hbm>> -> memref<1x64x16xi32, #tpu.memory_space<hbm>>
      %dma_start3A_255 = tpu.memref_squeeze %dma_start3A_254 : memref<1x64x16xi32, #tpu.memory_space<hbm>> -> memref<64x16xi32, #tpu.memory_space<hbm>>
      tpu.enqueue_dma source(%dma_start3A_255 : memref<64x16xi32, #tpu.memory_space<hbm>>) target(%arg5 : memref<64x16xi32, #tpu.memory_space<vmem>>) target_semaphore(%run_scoped3A : memref<!tpu.dma_semaphore, #tpu.memory_space<semaphore_mem>>)
      %dma_wait3A_256 = arith.constant 0 : i32
      %dma_wait3A_257 = arith.constant 0 : i32
      %dma_wait3A_258 = tpu.memref_slice %arg2[%add3A, %dma_wait3A_256, %dma_wait3A_257] : memref<32x64x16xi32, #tpu.memory_space<hbm>> -> memref<1x64x16xi32, #tpu.memory_space<hbm>>
      %dma_wait3A_259 = tpu.memref_squeeze %dma_wait3A_258 : memref<1x64x16xi32, #tpu.memory_space<hbm>> -> memref<64x16xi32, #tpu.memory_space<hbm>>
      %dma_wait3A_260 = arith.constant 0 : i32
      %dma_wait3A_261 = arith.constant 0 : i32
      %dma_wait3A_262 = tpu.memref_slice %arg2[%add3A, %dma_wait3A_260, %dma_wait3A_261] : memref<32x64x16xi32, #tpu.memory_space<hbm>> -> memref<1x64x16xi32, #tpu.memory_space<hbm>>
      %dma_wait3A_263 = tpu.memref_squeeze %dma_wait3A_262 : memref<1x64x16xi32, #tpu.memory_space<hbm>> -> memref<64x16xi32, #tpu.memory_space<hbm>>
      tpu.wait_dma2 semaphore(%run_scoped3A : memref<!tpu.dma_semaphore, #tpu.memory_space<semaphore_mem>>) src(%dma_wait3A_263 : memref<64x16xi32, #tpu.memory_space<hbm>>) dst(%arg5 : memref<64x16xi32, #tpu.memory_space<vmem>>)
      tpu.yield
    }) : () -> ()
    %dma_start3A = arith.constant 0 : i32
    %dma_start3A_3 = arith.constant 0 : i32
    %dma_start3A_4 = arith.constant 0 : i32
    %dma_start3A_5 = arith.constant 0 : i32
    %dma_start3A_6 = tpu.memref_slice %arg6[%dma_start3A_3, %dma_start3A_4, %dma_start3A_5] : memref<6x16x1024xf32, #tpu.memory_space<vmem>> -> memref<1x16x1024xf32, #tpu.memory_space<vmem>>
    %dma_start3A_7 = tpu.memref_squeeze %dma_start3A_6 : memref<1x16x1024xf32, #tpu.memory_space<vmem>> -> memref<16x1024xf32, #tpu.memory_space<vmem>>
    %dma_start3A_8 = arith.constant 0 : i32
    %dma_start3A_9 = tpu.memref_slice %arg5[%dma_start3A, %dma_start3A_8] : memref<64x16xi32, #tpu.memory_space<vmem>> -> memref<1x16xi32, #tpu.memory_space<vmem>>
    %dma_start3A_10 = tpu.memref_squeeze %dma_start3A_9 : memref<1x16xi32, #tpu.memory_space<vmem>> -> memref<16xi32, #tpu.memory_space<vmem>>
    %dma_start3A_11 = arith.constant 0 : i32
    %dma_start3A_12 = arith.constant 0 : i32
    %dma_start3A_13 = tpu.memref_slice %arg3[%dma_start3A_11, %dma_start3A_12] : memref<8192x1024xf32, #tpu.memory_space<hbm>> -> memref<8192x1024xf32, #tpu.memory_space<hbm>>
    tpu.enqueue_indirect_dma source(%dma_start3A_13 : memref<8192x1024xf32, #tpu.memory_space<hbm>>) target(%dma_start3A_7 : memref<16x1024xf32, #tpu.memory_space<vmem>>) offsets(%dma_start3A_10 : memref<16xi32, #tpu.memory_space<vmem>>) semaphore(%arg7 : memref<!tpu.dma_semaphore, #tpu.memory_space<semaphore_mem>>)
    %dma_start3A_14 = arith.constant 1 : i32
    %dma_start3A_15 = arith.constant 1 : i32
    %dma_start3A_16 = arith.constant 0 : i32
    %dma_start3A_17 = arith.constant 0 : i32
    %dma_start3A_18 = tpu.memref_slice %arg6[%dma_start3A_15, %dma_start3A_16, %dma_start3A_17] : memref<6x16x1024xf32, #tpu.memory_space<vmem>> -> memref<1x16x1024xf32, #tpu.memory_space<vmem>>
    %dma_start3A_19 = tpu.memref_squeeze %dma_start3A_18 : memref<1x16x1024xf32, #tpu.memory_space<vmem>> -> memref<16x1024xf32, #tpu.memory_space<vmem>>
    %dma_start3A_20 = arith.constant 0 : i32
    %dma_start3A_21 = tpu.memref_slice %arg5[%dma_start3A_14, %dma_start3A_20] : memref<64x16xi32, #tpu.memory_space<vmem>> -> memref<1x16xi32, #tpu.memory_space<vmem>>
    %dma_start3A_22 = tpu.memref_squeeze %dma_start3A_21 : memref<1x16xi32, #tpu.memory_space<vmem>> -> memref<16xi32, #tpu.memory_space<vmem>>
    %dma_start3A_23 = arith.constant 0 : i32
    %dma_start3A_24 = arith.constant 0 : i32
    %dma_start3A_25 = tpu.memref_slice %arg3[%dma_start3A_23, %dma_start3A_24] : memref<8192x1024xf32, #tpu.memory_space<hbm>> -> memref<8192x1024xf32, #tpu.memory_space<hbm>>
    tpu.enqueue_indirect_dma source(%dma_start3A_25 : memref<8192x1024xf32, #tpu.memory_space<hbm>>) target(%dma_start3A_19 : memref<16x1024xf32, #tpu.memory_space<vmem>>) offsets(%dma_start3A_22 : memref<16xi32, #tpu.memory_space<vmem>>) semaphore(%arg8 : memref<!tpu.dma_semaphore, #tpu.memory_space<semaphore_mem>>)
    %dma_start3A_26 = arith.constant 2 : i32
    %dma_start3A_27 = arith.constant 2 : i32
    %dma_start3A_28 = arith.constant 0 : i32
    %dma_start3A_29 = arith.constant 0 : i32
    %dma_start3A_30 = tpu.memref_slice %arg6[%dma_start3A_27, %dma_start3A_28, %dma_start3A_29] : memref<6x16x1024xf32, #tpu.memory_space<vmem>> -> memref<1x16x1024xf32, #tpu.memory_space<vmem>>
    %dma_start3A_31 = tpu.memref_squeeze %dma_start3A_30 : memref<1x16x1024xf32, #tpu.memory_space<vmem>> -> memref<16x1024xf32, #tpu.memory_space<vmem>>
    %dma_start3A_32 = arith.constant 0 : i32
    %dma_start3A_33 = tpu.memref_slice %arg5[%dma_start3A_26, %dma_start3A_32] : memref<64x16xi32, #tpu.memory_space<vmem>> -> memref<1x16xi32, #tpu.memory_space<vmem>>
    %dma_start3A_34 = tpu.memref_squeeze %dma_start3A_33 : memref<1x16xi32, #tpu.memory_space<vmem>> -> memref<16xi32, #tpu.memory_space<vmem>>
    %dma_start3A_35 = arith.constant 0 : i32
    %dma_start3A_36 = arith.constant 0 : i32
    %dma_start3A_37 = tpu.memref_slice %arg3[%dma_start3A_35, %dma_start3A_36] : memref<8192x1024xf32, #tpu.memory_space<hbm>> -> memref<8192x1024xf32, #tpu.memory_space<hbm>>
    tpu.enqueue_indirect_dma source(%dma_start3A_37 : memref<8192x1024xf32, #tpu.memory_space<hbm>>) target(%dma_start3A_31 : memref<16x1024xf32, #tpu.memory_space<vmem>>) offsets(%dma_start3A_34 : memref<16xi32, #tpu.memory_space<vmem>>) semaphore(%arg9 : memref<!tpu.dma_semaphore, #tpu.memory_space<semaphore_mem>>)
    %dma_start3A_38 = arith.constant 3 : i32
    %dma_start3A_39 = arith.constant 3 : i32
    %dma_start3A_40 = arith.constant 0 : i32
    %dma_start3A_41 = arith.constant 0 : i32
    %dma_start3A_42 = tpu.memref_slice %arg6[%dma_start3A_39, %dma_start3A_40, %dma_start3A_41] : memref<6x16x1024xf32, #tpu.memory_space<vmem>> -> memref<1x16x1024xf32, #tpu.memory_space<vmem>>
    %dma_start3A_43 = tpu.memref_squeeze %dma_start3A_42 : memref<1x16x1024xf32, #tpu.memory_space<vmem>> -> memref<16x1024xf32, #tpu.memory_space<vmem>>
    %dma_start3A_44 = arith.constant 0 : i32
    %dma_start3A_45 = tpu.memref_slice %arg5[%dma_start3A_38, %dma_start3A_44] : memref<64x16xi32, #tpu.memory_space<vmem>> -> memref<1x16xi32, #tpu.memory_space<vmem>>
    %dma_start3A_46 = tpu.memref_squeeze %dma_start3A_45 : memref<1x16xi32, #tpu.memory_space<vmem>> -> memref<16xi32, #tpu.memory_space<vmem>>
    %dma_start3A_47 = arith.constant 0 : i32
    %dma_start3A_48 = arith.constant 0 : i32
    %dma_start3A_49 = tpu.memref_slice %arg3[%dma_start3A_47, %dma_start3A_48] : memref<8192x1024xf32, #tpu.memory_space<hbm>> -> memref<8192x1024xf32, #tpu.memory_space<hbm>>
    tpu.enqueue_indirect_dma source(%dma_start3A_49 : memref<8192x1024xf32, #tpu.memory_space<hbm>>) target(%dma_start3A_43 : memref<16x1024xf32, #tpu.memory_space<vmem>>) offsets(%dma_start3A_46 : memref<16xi32, #tpu.memory_space<vmem>>) semaphore(%arg10 : memref<!tpu.dma_semaphore, #tpu.memory_space<semaphore_mem>>)
    %dma_start3A_50 = arith.constant 4 : i32
    %dma_start3A_51 = arith.constant 4 : i32
    %dma_start3A_52 = arith.constant 0 : i32
    %dma_start3A_53 = arith.constant 0 : i32
    %dma_start3A_54 = tpu.memref_slice %arg6[%dma_start3A_51, %dma_start3A_52, %dma_start3A_53] : memref<6x16x1024xf32, #tpu.memory_space<vmem>> -> memref<1x16x1024xf32, #tpu.memory_space<vmem>>
    %dma_start3A_55 = tpu.memref_squeeze %dma_start3A_54 : memref<1x16x1024xf32, #tpu.memory_space<vmem>> -> memref<16x1024xf32, #tpu.memory_space<vmem>>
    %dma_start3A_56 = arith.constant 0 : i32
    %dma_start3A_57 = tpu.memref_slice %arg5[%dma_start3A_50, %dma_start3A_56] : memref<64x16xi32, #tpu.memory_space<vmem>> -> memref<1x16xi32, #tpu.memory_space<vmem>>
    %dma_start3A_58 = tpu.memref_squeeze %dma_start3A_57 : memref<1x16xi32, #tpu.memory_space<vmem>> -> memref<16xi32, #tpu.memory_space<vmem>>
    %dma_start3A_59 = arith.constant 0 : i32
    %dma_start3A_60 = arith.constant 0 : i32
    %dma_start3A_61 = tpu.memref_slice %arg3[%dma_start3A_59, %dma_start3A_60] : memref<8192x1024xf32, #tpu.memory_space<hbm>> -> memref<8192x1024xf32, #tpu.memory_space<hbm>>
    tpu.enqueue_indirect_dma source(%dma_start3A_61 : memref<8192x1024xf32, #tpu.memory_space<hbm>>) target(%dma_start3A_55 : memref<16x1024xf32, #tpu.memory_space<vmem>>) offsets(%dma_start3A_58 : memref<16xi32, #tpu.memory_space<vmem>>) semaphore(%arg11 : memref<!tpu.dma_semaphore, #tpu.memory_space<semaphore_mem>>)
    %scan3A = arith.constant 0 : i32
    %scan3A_62 = arith.constant 10 : i32
    %scan3A_63 = arith.addi %scan3A, %scan3A_62 : i32
    %scan3A_64 = arith.constant 1 : i32
    scf.for %scan3A_248 = %scan3A to %scan3A_63 step %scan3A_64  : i32 {
      %mul3A_249 = arith.constant 6 : i32
      %mul3A_250 = arith.muli %scan3A_248, %mul3A_249 : i32
      %add3A_251 = arith.constant 0 : i32
      %add3A_252 = arith.addi %add3A_251, %mul3A_250 : i32
      %add3A_253 = arith.constant 0 : i32
      %add3A_254 = arith.addi %add3A_252, %add3A_253 : i32
      %dma_wait3A_255 = arith.constant 0 : i32
      %dma_wait3A_256 = arith.constant 0 : i32
      %dma_wait3A_257 = arith.constant 0 : i32
      %dma_wait3A_258 = tpu.memref_slice %arg6[%dma_wait3A_255, %dma_wait3A_256, %dma_wait3A_257] : memref<6x16x1024xf32, #tpu.memory_space<vmem>> -> memref<1x16x1024xf32, #tpu.memory_space<vmem>>
      %dma_wait3A_259 = tpu.memref_squeeze %dma_wait3A_258 : memref<1x16x1024xf32, #tpu.memory_space<vmem>> -> memref<16x1024xf32, #tpu.memory_space<vmem>>
      %dma_wait3A_260 = arith.constant 0 : i32
      %dma_wait3A_261 = tpu.memref_slice %arg5[%add3A_254, %dma_wait3A_260] : memref<64x16xi32, #tpu.memory_space<vmem>> -> memref<1x16xi32, #tpu.memory_space<vmem>>
      %dma_wait3A_262 = tpu.memref_squeeze %dma_wait3A_261 : memref<1x16xi32, #tpu.memory_space<vmem>> -> memref<16xi32, #tpu.memory_space<vmem>>
      %dma_wait3A_263 = arith.constant 0 : i32
      %dma_wait3A_264 = arith.constant 0 : i32
      %dma_wait3A_265 = tpu.memref_slice %arg3[%dma_wait3A_263, %dma_wait3A_264] : memref<8192x1024xf32, #tpu.memory_space<hbm>> -> memref<8192x1024xf32, #tpu.memory_space<hbm>>
      tpu.wait_indirect_dma semaphore(%arg7 : memref<!tpu.dma_semaphore, #tpu.memory_space<semaphore_mem>>) src(%dma_wait3A_265 : memref<8192x1024xf32, #tpu.memory_space<hbm>>) dst(%dma_wait3A_259 : memref<16x1024xf32, #tpu.memory_space<vmem>>)
      %mul3A_266 = arith.constant 16 : i32
      %mul3A_267 = arith.muli %add3A_254, %mul3A_266 : i32
      %add3A_268 = arith.addi %mul3A_2, %mul3A_267 : i32
      %dma_start3A_269 = arith.constant 0 : i32
      %dma_start3A_270 = arith.constant 0 : i32
      %dma_start3A_271 = arith.constant 0 : i32
      %dma_start3A_272 = tpu.memref_slice %arg6[%dma_start3A_269, %dma_start3A_270, %dma_start3A_271] : memref<6x16x1024xf32, #tpu.memory_space<vmem>> -> memref<1x16x1024xf32, #tpu.memory_space<vmem>>
      %dma_start3A_273 = tpu.memref_squeeze %dma_start3A_272 : memref<1x16x1024xf32, #tpu.memory_space<vmem>> -> memref<16x1024xf32, #tpu.memory_space<vmem>>
      %dma_start3A_274 = arith.constant 0 : i32
      %dma_start3A_275 = tpu.memref_slice %arg4[%add3A_268, %dma_start3A_274] : memref<32768x1024xf32, #tpu.memory_space<hbm>> -> memref<16x1024xf32, #tpu.memory_space<hbm>>
      %dma_start3A_276 = arith.constant 0 : i32
      %dma_start3A_277 = tpu.memref_slice %arg4[%add3A_268, %dma_start3A_276] : memref<32768x1024xf32, #tpu.memory_space<hbm>> -> memref<16x1024xf32, #tpu.memory_space<hbm>>
      %dma_start3A_278 = arith.constant 0 : i32
      %dma_start3A_279 = arith.constant 0 : i32
      %dma_start3A_280 = tpu.memref_slice %arg6[%dma_start3A_269, %dma_start3A_278, %dma_start3A_279] : memref<6x16x1024xf32, #tpu.memory_space<vmem>> -> memref<1x16x1024xf32, #tpu.memory_space<vmem>>
      %dma_start3A_281 = tpu.memref_squeeze %dma_start3A_280 : memref<1x16x1024xf32, #tpu.memory_space<vmem>> -> memref<16x1024xf32, #tpu.memory_space<vmem>>
      tpu.enqueue_dma source(%dma_start3A_281 : memref<16x1024xf32, #tpu.memory_space<vmem>>) target(%dma_start3A_277 : memref<16x1024xf32, #tpu.memory_space<hbm>>) target_semaphore(%arg13 : memref<!tpu.dma_semaphore, #tpu.memory_space<semaphore_mem>>)
      %gt3A = arith.constant 0 : i32
      %gt3A_282 = arith.cmpi sgt, %add3A_254, %gt3A : i32
      %convert_element_type3A = arith.extui %gt3A_282 : i1 to i32
      %cond3A = arith.constant 0 : i32
      %cond3A_283 = arith.cmpi ne, %convert_element_type3A, %cond3A : i32
      scf.if %cond3A_283 {
        %sub3A_506 = arith.constant 1 : i32
        %sub3A_507 = arith.subi %add3A_254, %sub3A_506 : i32
        %mul3A_508 = arith.constant 16 : i32
        %mul3A_509 = arith.muli %sub3A_507, %mul3A_508 : i32
        %add3A_510 = arith.addi %mul3A_2, %mul3A_509 : i32
        %dma_wait3A_511 = arith.constant 5 : i32
        %dma_wait3A_512 = arith.constant 0 : i32
        %dma_wait3A_513 = arith.constant 0 : i32
        %dma_wait3A_514 = tpu.memref_slice %arg6[%dma_wait3A_511, %dma_wait3A_512, %dma_wait3A_513] : memref<6x16x1024xf32, #tpu.memory_space<vmem>> -> memref<1x16x1024xf32, #tpu.memory_space<vmem>>
        %dma_wait3A_515 = tpu.memref_squeeze %dma_wait3A_514 : memref<1x16x1024xf32, #tpu.memory_space<vmem>> -> memref<16x1024xf32, #tpu.memory_space<vmem>>
        %dma_wait3A_516 = arith.constant 0 : i32
        %dma_wait3A_517 = tpu.memref_slice %arg4[%add3A_510, %dma_wait3A_516] : memref<32768x1024xf32, #tpu.memory_space<hbm>> -> memref<16x1024xf32, #tpu.memory_space<hbm>>
        %dma_wait3A_518 = arith.constant 0 : i32
        %dma_wait3A_519 = tpu.memref_slice %arg4[%add3A_510, %dma_wait3A_518] : memref<32768x1024xf32, #tpu.memory_space<hbm>> -> memref<16x1024xf32, #tpu.memory_space<hbm>>
        %dma_wait3A_520 = arith.constant 0 : i32
        %dma_wait3A_521 = arith.constant 0 : i32
        %dma_wait3A_522 = tpu.memref_slice %arg6[%dma_wait3A_511, %dma_wait3A_520, %dma_wait3A_521] : memref<6x16x1024xf32, #tpu.memory_space<vmem>> -> memref<1x16x1024xf32, #tpu.memory_space<vmem>>
        %dma_wait3A_523 = tpu.memref_squeeze %dma_wait3A_522 : memref<1x16x1024xf32, #tpu.memory_space<vmem>> -> memref<16x1024xf32, #tpu.memory_space<vmem>>
        tpu.wait_dma2 semaphore(%arg18 : memref<!tpu.dma_semaphore, #tpu.memory_space<semaphore_mem>>) src(%dma_wait3A_523 : memref<16x1024xf32, #tpu.memory_space<vmem>>) dst(%dma_wait3A_519 : memref<16x1024xf32, #tpu.memory_space<hbm>>)
      } else {
      }
      %add3A_284 = arith.constant 6 : i32
      %add3A_285 = arith.addi %add3A_254, %add3A_284 : i32
      %sub3A = arith.constant 1 : i32
      %sub3A_286 = arith.subi %add3A_285, %sub3A : i32
      %lt3A = arith.constant 64 : i32
      %lt3A_287 = arith.cmpi slt, %sub3A_286, %lt3A : i32
      %convert_element_type3A_288 = arith.extui %lt3A_287 : i1 to i32
      %cond3A_289 = arith.constant 0 : i32
      %cond3A_290 = arith.cmpi ne, %convert_element_type3A_288, %cond3A_289 : i32
      scf.if %cond3A_290 {
        %add3A_506 = arith.constant 6 : i32
        %add3A_507 = arith.addi %add3A_254, %add3A_506 : i32
        %sub3A_508 = arith.constant 1 : i32
        %sub3A_509 = arith.subi %add3A_507, %sub3A_508 : i32
        %dma_start3A_510 = arith.constant 5 : i32
        %dma_start3A_511 = arith.constant 0 : i32
        %dma_start3A_512 = arith.constant 0 : i32
        %dma_start3A_513 = tpu.memref_slice %arg6[%dma_start3A_510, %dma_start3A_511, %dma_start3A_512] : memref<6x16x1024xf32, #tpu.memory_space<vmem>> -> memref<1x16x1024xf32, #tpu.memory_space<vmem>>
        %dma_start3A_514 = tpu.memref_squeeze %dma_start3A_513 : memref<1x16x1024xf32, #tpu.memory_space<vmem>> -> memref<16x1024xf32, #tpu.memory_space<vmem>>
        %dma_start3A_515 = arith.constant 0 : i32
        %dma_start3A_516 = tpu.memref_slice %arg5[%sub3A_509, %dma_start3A_515] : memref<64x16xi32, #tpu.memory_space<vmem>> -> memref<1x16xi32, #tpu.memory_space<vmem>>
        %dma_start3A_517 = tpu.memref_squeeze %dma_start3A_516 : memref<1x16xi32, #tpu.memory_space<vmem>> -> memref<16xi32, #tpu.memory_space<vmem>>
        %dma_start3A_518 = arith.constant 0 : i32
        %dma_start3A_519 = arith.constant 0 : i32
        %dma_start3A_520 = tpu.memref_slice %arg3[%dma_start3A_518, %dma_start3A_519] : memref<8192x1024xf32, #tpu.memory_space<hbm>> -> memref<8192x1024xf32, #tpu.memory_space<hbm>>
        tpu.enqueue_indirect_dma source(%dma_start3A_520 : memref<8192x1024xf32, #tpu.memory_space<hbm>>) target(%dma_start3A_514 : memref<16x1024xf32, #tpu.memory_space<vmem>>) offsets(%dma_start3A_517 : memref<16xi32, #tpu.memory_space<vmem>>) semaphore(%arg12 : memref<!tpu.dma_semaphore, #tpu.memory_space<semaphore_mem>>)
      } else {
      }
      %add3A_291 = arith.constant 1 : i32
      %add3A_292 = arith.addi %add3A_252, %add3A_291 : i32
      %dma_wait3A_293 = arith.constant 1 : i32
      %dma_wait3A_294 = arith.constant 0 : i32
      %dma_wait3A_295 = arith.constant 0 : i32
      %dma_wait3A_296 = tpu.memref_slice %arg6[%dma_wait3A_293, %dma_wait3A_294, %dma_wait3A_295] : memref<6x16x1024xf32, #tpu.memory_space<vmem>> -> memref<1x16x1024xf32, #tpu.memory_space<vmem>>
      %dma_wait3A_297 = tpu.memref_squeeze %dma_wait3A_296 : memref<1x16x1024xf32, #tpu.memory_space<vmem>> -> memref<16x1024xf32, #tpu.memory_space<vmem>>
      %dma_wait3A_298 = arith.constant 0 : i32
      %dma_wait3A_299 = tpu.memref_slice %arg5[%add3A_292, %dma_wait3A_298] : memref<64x16xi32, #tpu.memory_space<vmem>> -> memref<1x16xi32, #tpu.memory_space<vmem>>
      %dma_wait3A_300 = tpu.memref_squeeze %dma_wait3A_299 : memref<1x16xi32, #tpu.memory_space<vmem>> -> memref<16xi32, #tpu.memory_space<vmem>>
      %dma_wait3A_301 = arith.constant 0 : i32
      %dma_wait3A_302 = arith.constant 0 : i32
      %dma_wait3A_303 = tpu.memref_slice %arg3[%dma_wait3A_301, %dma_wait3A_302] : memref<8192x1024xf32, #tpu.memory_space<hbm>> -> memref<8192x1024xf32, #tpu.memory_space<hbm>>
      tpu.wait_indirect_dma semaphore(%arg8 : memref<!tpu.dma_semaphore, #tpu.memory_space<semaphore_mem>>) src(%dma_wait3A_303 : memref<8192x1024xf32, #tpu.memory_space<hbm>>) dst(%dma_wait3A_297 : memref<16x1024xf32, #tpu.memory_space<vmem>>)
      %mul3A_304 = arith.constant 16 : i32
      %mul3A_305 = arith.muli %add3A_292, %mul3A_304 : i32
      %add3A_306 = arith.addi %mul3A_2, %mul3A_305 : i32
      %dma_start3A_307 = arith.constant 1 : i32
      %dma_start3A_308 = arith.constant 0 : i32
      %dma_start3A_309 = arith.constant 0 : i32
      %dma_start3A_310 = tpu.memref_slice %arg6[%dma_start3A_307, %dma_start3A_308, %dma_start3A_309] : memref<6x16x1024xf32, #tpu.memory_space<vmem>> -> memref<1x16x1024xf32, #tpu.memory_space<vmem>>
      %dma_start3A_311 = tpu.memref_squeeze %dma_start3A_310 : memref<1x16x1024xf32, #tpu.memory_space<vmem>> -> memref<16x1024xf32, #tpu.memory_space<vmem>>
      %dma_start3A_312 = arith.constant 0 : i32
      %dma_start3A_313 = tpu.memref_slice %arg4[%add3A_306, %dma_start3A_312] : memref<32768x1024xf32, #tpu.memory_space<hbm>> -> memref<16x1024xf32, #tpu.memory_space<hbm>>
      %dma_start3A_314 = arith.constant 0 : i32
      %dma_start3A_315 = tpu.memref_slice %arg4[%add3A_306, %dma_start3A_314] : memref<32768x1024xf32, #tpu.memory_space<hbm>> -> memref<16x1024xf32, #tpu.memory_space<hbm>>
      %dma_start3A_316 = arith.constant 0 : i32
      %dma_start3A_317 = arith.constant 0 : i32
      %dma_start3A_318 = tpu.memref_slice %arg6[%dma_start3A_307, %dma_start3A_316, %dma_start3A_317] : memref<6x16x1024xf32, #tpu.memory_space<vmem>> -> memref<1x16x1024xf32, #tpu.memory_space<vmem>>
      %dma_start3A_319 = tpu.memref_squeeze %dma_start3A_318 : memref<1x16x1024xf32, #tpu.memory_space<vmem>> -> memref<16x1024xf32, #tpu.memory_space<vmem>>
      tpu.enqueue_dma source(%dma_start3A_319 : memref<16x1024xf32, #tpu.memory_space<vmem>>) target(%dma_start3A_315 : memref<16x1024xf32, #tpu.memory_space<hbm>>) target_semaphore(%arg14 : memref<!tpu.dma_semaphore, #tpu.memory_space<semaphore_mem>>)
      %gt3A_320 = arith.constant 0 : i32
      %gt3A_321 = arith.cmpi sgt, %add3A_292, %gt3A_320 : i32
      %convert_element_type3A_322 = arith.extui %gt3A_321 : i1 to i32
      %cond3A_323 = arith.constant 0 : i32
      %cond3A_324 = arith.cmpi ne, %convert_element_type3A_322, %cond3A_323 : i32
      scf.if %cond3A_324 {
        %sub3A_506 = arith.constant 1 : i32
        %sub3A_507 = arith.subi %add3A_292, %sub3A_506 : i32
        %mul3A_508 = arith.constant 16 : i32
        %mul3A_509 = arith.muli %sub3A_507, %mul3A_508 : i32
        %add3A_510 = arith.addi %mul3A_2, %mul3A_509 : i32
        %dma_wait3A_511 = arith.constant 0 : i32
        %dma_wait3A_512 = arith.constant 0 : i32
        %dma_wait3A_513 = arith.constant 0 : i32
        %dma_wait3A_514 = tpu.memref_slice %arg6[%dma_wait3A_511, %dma_wait3A_512, %dma_wait3A_513] : memref<6x16x1024xf32, #tpu.memory_space<vmem>> -> memref<1x16x1024xf32, #tpu.memory_space<vmem>>
        %dma_wait3A_515 = tpu.memref_squeeze %dma_wait3A_514 : memref<1x16x1024xf32, #tpu.memory_space<vmem>> -> memref<16x1024xf32, #tpu.memory_space<vmem>>
        %dma_wait3A_516 = arith.constant 0 : i32
        %dma_wait3A_517 = tpu.memref_slice %arg4[%add3A_510, %dma_wait3A_516] : memref<32768x1024xf32, #tpu.memory_space<hbm>> -> memref<16x1024xf32, #tpu.memory_space<hbm>>
        %dma_wait3A_518 = arith.constant 0 : i32
        %dma_wait3A_519 = tpu.memref_slice %arg4[%add3A_510, %dma_wait3A_518] : memref<32768x1024xf32, #tpu.memory_space<hbm>> -> memref<16x1024xf32, #tpu.memory_space<hbm>>
        %dma_wait3A_520 = arith.constant 0 : i32
        %dma_wait3A_521 = arith.constant 0 : i32
        %dma_wait3A_522 = tpu.memref_slice %arg6[%dma_wait3A_511, %dma_wait3A_520, %dma_wait3A_521] : memref<6x16x1024xf32, #tpu.memory_space<vmem>> -> memref<1x16x1024xf32, #tpu.memory_space<vmem>>
        %dma_wait3A_523 = tpu.memref_squeeze %dma_wait3A_522 : memref<1x16x1024xf32, #tpu.memory_space<vmem>> -> memref<16x1024xf32, #tpu.memory_space<vmem>>
        tpu.wait_dma2 semaphore(%arg13 : memref<!tpu.dma_semaphore, #tpu.memory_space<semaphore_mem>>) src(%dma_wait3A_523 : memref<16x1024xf32, #tpu.memory_space<vmem>>) dst(%dma_wait3A_519 : memref<16x1024xf32, #tpu.memory_space<hbm>>)
      } else {
      }
      %add3A_325 = arith.constant 6 : i32
      %add3A_326 = arith.addi %add3A_292, %add3A_325 : i32
      %sub3A_327 = arith.constant 1 : i32
      %sub3A_328 = arith.subi %add3A_326, %sub3A_327 : i32
      %lt3A_329 = arith.constant 64 : i32
      %lt3A_330 = arith.cmpi slt, %sub3A_328, %lt3A_329 : i32
      %convert_element_type3A_331 = arith.extui %lt3A_330 : i1 to i32
      %cond3A_332 = arith.constant 0 : i32
      %cond3A_333 = arith.cmpi ne, %convert_element_type3A_331, %cond3A_332 : i32
      scf.if %cond3A_333 {
        %add3A_506 = arith.constant 6 : i32
        %add3A_507 = arith.addi %add3A_292, %add3A_506 : i32
        %sub3A_508 = arith.constant 1 : i32
        %sub3A_509 = arith.subi %add3A_507, %sub3A_508 : i32
        %dma_start3A_510 = arith.constant 0 : i32
        %dma_start3A_511 = arith.constant 0 : i32
        %dma_start3A_512 = arith.constant 0 : i32
        %dma_start3A_513 = tpu.memref_slice %arg6[%dma_start3A_510, %dma_start3A_511, %dma_start3A_512] : memref<6x16x1024xf32, #tpu.memory_space<vmem>> -> memref<1x16x1024xf32, #tpu.memory_space<vmem>>
        %dma_start3A_514 = tpu.memref_squeeze %dma_start3A_513 : memref<1x16x1024xf32, #tpu.memory_space<vmem>> -> memref<16x1024xf32, #tpu.memory_space<vmem>>
        %dma_start3A_515 = arith.constant 0 : i32
        %dma_start3A_516 = tpu.memref_slice %arg5[%sub3A_509, %dma_start3A_515] : memref<64x16xi32, #tpu.memory_space<vmem>> -> memref<1x16xi32, #tpu.memory_space<vmem>>
        %dma_start3A_517 = tpu.memref_squeeze %dma_start3A_516 : memref<1x16xi32, #tpu.memory_space<vmem>> -> memref<16xi32, #tpu.memory_space<vmem>>
        %dma_start3A_518 = arith.constant 0 : i32
        %dma_start3A_519 = arith.constant 0 : i32
        %dma_start3A_520 = tpu.memref_slice %arg3[%dma_start3A_518, %dma_start3A_519] : memref<8192x1024xf32, #tpu.memory_space<hbm>> -> memref<8192x1024xf32, #tpu.memory_space<hbm>>
        tpu.enqueue_indirect_dma source(%dma_start3A_520 : memref<8192x1024xf32, #tpu.memory_space<hbm>>) target(%dma_start3A_514 : memref<16x1024xf32, #tpu.memory_space<vmem>>) offsets(%dma_start3A_517 : memref<16xi32, #tpu.memory_space<vmem>>) semaphore(%arg7 : memref<!tpu.dma_semaphore, #tpu.memory_space<semaphore_mem>>)
      } else {
      }
      %add3A_334 = arith.constant 2 : i32
      %add3A_335 = arith.addi %add3A_252, %add3A_334 : i32
      %dma_wait3A_336 = arith.constant 2 : i32
      %dma_wait3A_337 = arith.constant 0 : i32
      %dma_wait3A_338 = arith.constant 0 : i32
      %dma_wait3A_339 = tpu.memref_slice %arg6[%dma_wait3A_336, %dma_wait3A_337, %dma_wait3A_338] : memref<6x16x1024xf32, #tpu.memory_space<vmem>> -> memref<1x16x1024xf32, #tpu.memory_space<vmem>>
      %dma_wait3A_340 = tpu.memref_squeeze %dma_wait3A_339 : memref<1x16x1024xf32, #tpu.memory_space<vmem>> -> memref<16x1024xf32, #tpu.memory_space<vmem>>
      %dma_wait3A_341 = arith.constant 0 : i32
      %dma_wait3A_342 = tpu.memref_slice %arg5[%add3A_335, %dma_wait3A_341] : memref<64x16xi32, #tpu.memory_space<vmem>> -> memref<1x16xi32, #tpu.memory_space<vmem>>
      %dma_wait3A_343 = tpu.memref_squeeze %dma_wait3A_342 : memref<1x16xi32, #tpu.memory_space<vmem>> -> memref<16xi32, #tpu.memory_space<vmem>>
      %dma_wait3A_344 = arith.constant 0 : i32
      %dma_wait3A_345 = arith.constant 0 : i32
      %dma_wait3A_346 = tpu.memref_slice %arg3[%dma_wait3A_344, %dma_wait3A_345] : memref<8192x1024xf32, #tpu.memory_space<hbm>> -> memref<8192x1024xf32, #tpu.memory_space<hbm>>
      tpu.wait_indirect_dma semaphore(%arg9 : memref<!tpu.dma_semaphore, #tpu.memory_space<semaphore_mem>>) src(%dma_wait3A_346 : memref<8192x1024xf32, #tpu.memory_space<hbm>>) dst(%dma_wait3A_340 : memref<16x1024xf32, #tpu.memory_space<vmem>>)
      %mul3A_347 = arith.constant 16 : i32
      %mul3A_348 = arith.muli %add3A_335, %mul3A_347 : i32
      %add3A_349 = arith.addi %mul3A_2, %mul3A_348 : i32
      %dma_start3A_350 = arith.constant 2 : i32
      %dma_start3A_351 = arith.constant 0 : i32
      %dma_start3A_352 = arith.constant 0 : i32
      %dma_start3A_353 = tpu.memref_slice %arg6[%dma_start3A_350, %dma_start3A_351, %dma_start3A_352] : memref<6x16x1024xf32, #tpu.memory_space<vmem>> -> memref<1x16x1024xf32, #tpu.memory_space<vmem>>
      %dma_start3A_354 = tpu.memref_squeeze %dma_start3A_353 : memref<1x16x1024xf32, #tpu.memory_space<vmem>> -> memref<16x1024xf32, #tpu.memory_space<vmem>>
      %dma_start3A_355 = arith.constant 0 : i32
      %dma_start3A_356 = tpu.memref_slice %arg4[%add3A_349, %dma_start3A_355] : memref<32768x1024xf32, #tpu.memory_space<hbm>> -> memref<16x1024xf32, #tpu.memory_space<hbm>>
      %dma_start3A_357 = arith.constant 0 : i32
      %dma_start3A_358 = tpu.memref_slice %arg4[%add3A_349, %dma_start3A_357] : memref<32768x1024xf32, #tpu.memory_space<hbm>> -> memref<16x1024xf32, #tpu.memory_space<hbm>>
      %dma_start3A_359 = arith.constant 0 : i32
      %dma_start3A_360 = arith.constant 0 : i32
      %dma_start3A_361 = tpu.memref_slice %arg6[%dma_start3A_350, %dma_start3A_359, %dma_start3A_360] : memref<6x16x1024xf32, #tpu.memory_space<vmem>> -> memref<1x16x1024xf32, #tpu.memory_space<vmem>>
      %dma_start3A_362 = tpu.memref_squeeze %dma_start3A_361 : memref<1x16x1024xf32, #tpu.memory_space<vmem>> -> memref<16x1024xf32, #tpu.memory_space<vmem>>
      tpu.enqueue_dma source(%dma_start3A_362 : memref<16x1024xf32, #tpu.memory_space<vmem>>) target(%dma_start3A_358 : memref<16x1024xf32, #tpu.memory_space<hbm>>) target_semaphore(%arg15 : memref<!tpu.dma_semaphore, #tpu.memory_space<semaphore_mem>>)
      %gt3A_363 = arith.constant 0 : i32
      %gt3A_364 = arith.cmpi sgt, %add3A_335, %gt3A_363 : i32
      %convert_element_type3A_365 = arith.extui %gt3A_364 : i1 to i32
      %cond3A_366 = arith.constant 0 : i32
      %cond3A_367 = arith.cmpi ne, %convert_element_type3A_365, %cond3A_366 : i32
      scf.if %cond3A_367 {
        %sub3A_506 = arith.constant 1 : i32
        %sub3A_507 = arith.subi %add3A_335, %sub3A_506 : i32
        %mul3A_508 = arith.constant 16 : i32
        %mul3A_509 = arith.muli %sub3A_507, %mul3A_508 : i32
        %add3A_510 = arith.addi %mul3A_2, %mul3A_509 : i32
        %dma_wait3A_511 = arith.constant 1 : i32
        %dma_wait3A_512 = arith.constant 0 : i32
        %dma_wait3A_513 = arith.constant 0 : i32
        %dma_wait3A_514 = tpu.memref_slice %arg6[%dma_wait3A_511, %dma_wait3A_512, %dma_wait3A_513] : memref<6x16x1024xf32, #tpu.memory_space<vmem>> -> memref<1x16x1024xf32, #tpu.memory_space<vmem>>
        %dma_wait3A_515 = tpu.memref_squeeze %dma_wait3A_514 : memref<1x16x1024xf32, #tpu.memory_space<vmem>> -> memref<16x1024xf32, #tpu.memory_space<vmem>>
        %dma_wait3A_516 = arith.constant 0 : i32
        %dma_wait3A_517 = tpu.memref_slice %arg4[%add3A_510, %dma_wait3A_516] : memref<32768x1024xf32, #tpu.memory_space<hbm>> -> memref<16x1024xf32, #tpu.memory_space<hbm>>
        %dma_wait3A_518 = arith.constant 0 : i32
        %dma_wait3A_519 = tpu.memref_slice %arg4[%add3A_510, %dma_wait3A_518] : memref<32768x1024xf32, #tpu.memory_space<hbm>> -> memref<16x1024xf32, #tpu.memory_space<hbm>>
        %dma_wait3A_520 = arith.constant 0 : i32
        %dma_wait3A_521 = arith.constant 0 : i32
        %dma_wait3A_522 = tpu.memref_slice %arg6[%dma_wait3A_511, %dma_wait3A_520, %dma_wait3A_521] : memref<6x16x1024xf32, #tpu.memory_space<vmem>> -> memref<1x16x1024xf32, #tpu.memory_space<vmem>>
        %dma_wait3A_523 = tpu.memref_squeeze %dma_wait3A_522 : memref<1x16x1024xf32, #tpu.memory_space<vmem>> -> memref<16x1024xf32, #tpu.memory_space<vmem>>
        tpu.wait_dma2 semaphore(%arg14 : memref<!tpu.dma_semaphore, #tpu.memory_space<semaphore_mem>>) src(%dma_wait3A_523 : memref<16x1024xf32, #tpu.memory_space<vmem>>) dst(%dma_wait3A_519 : memref<16x1024xf32, #tpu.memory_space<hbm>>)
      } else {
      }
      %add3A_368 = arith.constant 6 : i32
      %add3A_369 = arith.addi %add3A_335, %add3A_368 : i32
      %sub3A_370 = arith.constant 1 : i32
      %sub3A_371 = arith.subi %add3A_369, %sub3A_370 : i32
      %lt3A_372 = arith.constant 64 : i32
      %lt3A_373 = arith.cmpi slt, %sub3A_371, %lt3A_372 : i32
      %convert_element_type3A_374 = arith.extui %lt3A_373 : i1 to i32
      %cond3A_375 = arith.constant 0 : i32
      %cond3A_376 = arith.cmpi ne, %convert_element_type3A_374, %cond3A_375 : i32
      scf.if %cond3A_376 {
        %add3A_506 = arith.constant 6 : i32
        %add3A_507 = arith.addi %add3A_335, %add3A_506 : i32
        %sub3A_508 = arith.constant 1 : i32
        %sub3A_509 = arith.subi %add3A_507, %sub3A_508 : i32
        %dma_start3A_510 = arith.constant 1 : i32
        %dma_start3A_511 = arith.constant 0 : i32
        %dma_start3A_512 = arith.constant 0 : i32
        %dma_start3A_513 = tpu.memref_slice %arg6[%dma_start3A_510, %dma_start3A_511, %dma_start3A_512] : memref<6x16x1024xf32, #tpu.memory_space<vmem>> -> memref<1x16x1024xf32, #tpu.memory_space<vmem>>
        %dma_start3A_514 = tpu.memref_squeeze %dma_start3A_513 : memref<1x16x1024xf32, #tpu.memory_space<vmem>> -> memref<16x1024xf32, #tpu.memory_space<vmem>>
        %dma_start3A_515 = arith.constant 0 : i32
        %dma_start3A_516 = tpu.memref_slice %arg5[%sub3A_509, %dma_start3A_515] : memref<64x16xi32, #tpu.memory_space<vmem>> -> memref<1x16xi32, #tpu.memory_space<vmem>>
        %dma_start3A_517 = tpu.memref_squeeze %dma_start3A_516 : memref<1x16xi32, #tpu.memory_space<vmem>> -> memref<16xi32, #tpu.memory_space<vmem>>
        %dma_start3A_518 = arith.constant 0 : i32
        %dma_start3A_519 = arith.constant 0 : i32
        %dma_start3A_520 = tpu.memref_slice %arg3[%dma_start3A_518, %dma_start3A_519] : memref<8192x1024xf32, #tpu.memory_space<hbm>> -> memref<8192x1024xf32, #tpu.memory_space<hbm>>
        tpu.enqueue_indirect_dma source(%dma_start3A_520 : memref<8192x1024xf32, #tpu.memory_space<hbm>>) target(%dma_start3A_514 : memref<16x1024xf32, #tpu.memory_space<vmem>>) offsets(%dma_start3A_517 : memref<16xi32, #tpu.memory_space<vmem>>) semaphore(%arg8 : memref<!tpu.dma_semaphore, #tpu.memory_space<semaphore_mem>>)
      } else {
      }
      %add3A_377 = arith.constant 3 : i32
      %add3A_378 = arith.addi %add3A_252, %add3A_377 : i32
      %dma_wait3A_379 = arith.constant 3 : i32
      %dma_wait3A_380 = arith.constant 0 : i32
      %dma_wait3A_381 = arith.constant 0 : i32
      %dma_wait3A_382 = tpu.memref_slice %arg6[%dma_wait3A_379, %dma_wait3A_380, %dma_wait3A_381] : memref<6x16x1024xf32, #tpu.memory_space<vmem>> -> memref<1x16x1024xf32, #tpu.memory_space<vmem>>
      %dma_wait3A_383 = tpu.memref_squeeze %dma_wait3A_382 : memref<1x16x1024xf32, #tpu.memory_space<vmem>> -> memref<16x1024xf32, #tpu.memory_space<vmem>>
      %dma_wait3A_384 = arith.constant 0 : i32
      %dma_wait3A_385 = tpu.memref_slice %arg5[%add3A_378, %dma_wait3A_384] : memref<64x16xi32, #tpu.memory_space<vmem>> -> memref<1x16xi32, #tpu.memory_space<vmem>>
      %dma_wait3A_386 = tpu.memref_squeeze %dma_wait3A_385 : memref<1x16xi32, #tpu.memory_space<vmem>> -> memref<16xi32, #tpu.memory_space<vmem>>
      %dma_wait3A_387 = arith.constant 0 : i32
      %dma_wait3A_388 = arith.constant 0 : i32
      %dma_wait3A_389 = tpu.memref_slice %arg3[%dma_wait3A_387, %dma_wait3A_388] : memref<8192x1024xf32, #tpu.memory_space<hbm>> -> memref<8192x1024xf32, #tpu.memory_space<hbm>>
      tpu.wait_indirect_dma semaphore(%arg10 : memref<!tpu.dma_semaphore, #tpu.memory_space<semaphore_mem>>) src(%dma_wait3A_389 : memref<8192x1024xf32, #tpu.memory_space<hbm>>) dst(%dma_wait3A_383 : memref<16x1024xf32, #tpu.memory_space<vmem>>)
      %mul3A_390 = arith.constant 16 : i32
      %mul3A_391 = arith.muli %add3A_378, %mul3A_390 : i32
      %add3A_392 = arith.addi %mul3A_2, %mul3A_391 : i32
      %dma_start3A_393 = arith.constant 3 : i32
      %dma_start3A_394 = arith.constant 0 : i32
      %dma_start3A_395 = arith.constant 0 : i32
      %dma_start3A_396 = tpu.memref_slice %arg6[%dma_start3A_393, %dma_start3A_394, %dma_start3A_395] : memref<6x16x1024xf32, #tpu.memory_space<vmem>> -> memref<1x16x1024xf32, #tpu.memory_space<vmem>>
      %dma_start3A_397 = tpu.memref_squeeze %dma_start3A_396 : memref<1x16x1024xf32, #tpu.memory_space<vmem>> -> memref<16x1024xf32, #tpu.memory_space<vmem>>
      %dma_start3A_398 = arith.constant 0 : i32
      %dma_start3A_399 = tpu.memref_slice %arg4[%add3A_392, %dma_start3A_398] : memref<32768x1024xf32, #tpu.memory_space<hbm>> -> memref<16x1024xf32, #tpu.memory_space<hbm>>
      %dma_start3A_400 = arith.constant 0 : i32
      %dma_start3A_401 = tpu.memref_slice %arg4[%add3A_392, %dma_start3A_400] : memref<32768x1024xf32, #tpu.memory_space<hbm>> -> memref<16x1024xf32, #tpu.memory_space<hbm>>
      %dma_start3A_402 = arith.constant 0 : i32
      %dma_start3A_403 = arith.constant 0 : i32
      %dma_start3A_404 = tpu.memref_slice %arg6[%dma_start3A_393, %dma_start3A_402, %dma_start3A_403] : memref<6x16x1024xf32, #tpu.memory_space<vmem>> -> memref<1x16x1024xf32, #tpu.memory_space<vmem>>
      %dma_start3A_405 = tpu.memref_squeeze %dma_start3A_404 : memref<1x16x1024xf32, #tpu.memory_space<vmem>> -> memref<16x1024xf32, #tpu.memory_space<vmem>>
      tpu.enqueue_dma source(%dma_start3A_405 : memref<16x1024xf32, #tpu.memory_space<vmem>>) target(%dma_start3A_401 : memref<16x1024xf32, #tpu.memory_space<hbm>>) target_semaphore(%arg16 : memref<!tpu.dma_semaphore, #tpu.memory_space<semaphore_mem>>)
      %gt3A_406 = arith.constant 0 : i32
      %gt3A_407 = arith.cmpi sgt, %add3A_378, %gt3A_406 : i32
      %convert_element_type3A_408 = arith.extui %gt3A_407 : i1 to i32
      %cond3A_409 = arith.constant 0 : i32
      %cond3A_410 = arith.cmpi ne, %convert_element_type3A_408, %cond3A_409 : i32
      scf.if %cond3A_410 {
        %sub3A_506 = arith.constant 1 : i32
        %sub3A_507 = arith.subi %add3A_378, %sub3A_506 : i32
        %mul3A_508 = arith.constant 16 : i32
        %mul3A_509 = arith.muli %sub3A_507, %mul3A_508 : i32
        %add3A_510 = arith.addi %mul3A_2, %mul3A_509 : i32
        %dma_wait3A_511 = arith.constant 2 : i32
        %dma_wait3A_512 = arith.constant 0 : i32
        %dma_wait3A_513 = arith.constant 0 : i32
        %dma_wait3A_514 = tpu.memref_slice %arg6[%dma_wait3A_511, %dma_wait3A_512, %dma_wait3A_513] : memref<6x16x1024xf32, #tpu.memory_space<vmem>> -> memref<1x16x1024xf32, #tpu.memory_space<vmem>>
        %dma_wait3A_515 = tpu.memref_squeeze %dma_wait3A_514 : memref<1x16x1024xf32, #tpu.memory_space<vmem>> -> memref<16x1024xf32, #tpu.memory_space<vmem>>
        %dma_wait3A_516 = arith.constant 0 : i32
        %dma_wait3A_517 = tpu.memref_slice %arg4[%add3A_510, %dma_wait3A_516] : memref<32768x1024xf32, #tpu.memory_space<hbm>> -> memref<16x1024xf32, #tpu.memory_space<hbm>>
        %dma_wait3A_518 = arith.constant 0 : i32
        %dma_wait3A_519 = tpu.memref_slice %arg4[%add3A_510, %dma_wait3A_518] : memref<32768x1024xf32, #tpu.memory_space<hbm>> -> memref<16x1024xf32, #tpu.memory_space<hbm>>
        %dma_wait3A_520 = arith.constant 0 : i32
        %dma_wait3A_521 = arith.constant 0 : i32
        %dma_wait3A_522 = tpu.memref_slice %arg6[%dma_wait3A_511, %dma_wait3A_520, %dma_wait3A_521] : memref<6x16x1024xf32, #tpu.memory_space<vmem>> -> memref<1x16x1024xf32, #tpu.memory_space<vmem>>
        %dma_wait3A_523 = tpu.memref_squeeze %dma_wait3A_522 : memref<1x16x1024xf32, #tpu.memory_space<vmem>> -> memref<16x1024xf32, #tpu.memory_space<vmem>>
        tpu.wait_dma2 semaphore(%arg15 : memref<!tpu.dma_semaphore, #tpu.memory_space<semaphore_mem>>) src(%dma_wait3A_523 : memref<16x1024xf32, #tpu.memory_space<vmem>>) dst(%dma_wait3A_519 : memref<16x1024xf32, #tpu.memory_space<hbm>>)
      } else {
      }
      %add3A_411 = arith.constant 6 : i32
      %add3A_412 = arith.addi %add3A_378, %add3A_411 : i32
      %sub3A_413 = arith.constant 1 : i32
      %sub3A_414 = arith.subi %add3A_412, %sub3A_413 : i32
      %lt3A_415 = arith.constant 64 : i32
      %lt3A_416 = arith.cmpi slt, %sub3A_414, %lt3A_415 : i32
      %convert_element_type3A_417 = arith.extui %lt3A_416 : i1 to i32
      %cond3A_418 = arith.constant 0 : i32
      %cond3A_419 = arith.cmpi ne, %convert_element_type3A_417, %cond3A_418 : i32
      scf.if %cond3A_419 {
        %add3A_506 = arith.constant 6 : i32
        %add3A_507 = arith.addi %add3A_378, %add3A_506 : i32
        %sub3A_508 = arith.constant 1 : i32
        %sub3A_509 = arith.subi %add3A_507, %sub3A_508 : i32
        %dma_start3A_510 = arith.constant 2 : i32
        %dma_start3A_511 = arith.constant 0 : i32
        %dma_start3A_512 = arith.constant 0 : i32
        %dma_start3A_513 = tpu.memref_slice %arg6[%dma_start3A_510, %dma_start3A_511, %dma_start3A_512] : memref<6x16x1024xf32, #tpu.memory_space<vmem>> -> memref<1x16x1024xf32, #tpu.memory_space<vmem>>
        %dma_start3A_514 = tpu.memref_squeeze %dma_start3A_513 : memref<1x16x1024xf32, #tpu.memory_space<vmem>> -> memref<16x1024xf32, #tpu.memory_space<vmem>>
        %dma_start3A_515 = arith.constant 0 : i32
        %dma_start3A_516 = tpu.memref_slice %arg5[%sub3A_509, %dma_start3A_515] : memref<64x16xi32, #tpu.memory_space<vmem>> -> memref<1x16xi32, #tpu.memory_space<vmem>>
        %dma_start3A_517 = tpu.memref_squeeze %dma_start3A_516 : memref<1x16xi32, #tpu.memory_space<vmem>> -> memref<16xi32, #tpu.memory_space<vmem>>
        %dma_start3A_518 = arith.constant 0 : i32
        %dma_start3A_519 = arith.constant 0 : i32
        %dma_start3A_520 = tpu.memref_slice %arg3[%dma_start3A_518, %dma_start3A_519] : memref<8192x1024xf32, #tpu.memory_space<hbm>> -> memref<8192x1024xf32, #tpu.memory_space<hbm>>
        tpu.enqueue_indirect_dma source(%dma_start3A_520 : memref<8192x1024xf32, #tpu.memory_space<hbm>>) target(%dma_start3A_514 : memref<16x1024xf32, #tpu.memory_space<vmem>>) offsets(%dma_start3A_517 : memref<16xi32, #tpu.memory_space<vmem>>) semaphore(%arg9 : memref<!tpu.dma_semaphore, #tpu.memory_space<semaphore_mem>>)
      } else {
      }
      %add3A_420 = arith.constant 4 : i32
      %add3A_421 = arith.addi %add3A_252, %add3A_420 : i32
      %dma_wait3A_422 = arith.constant 4 : i32
      %dma_wait3A_423 = arith.constant 0 : i32
      %dma_wait3A_424 = arith.constant 0 : i32
      %dma_wait3A_425 = tpu.memref_slice %arg6[%dma_wait3A_422, %dma_wait3A_423, %dma_wait3A_424] : memref<6x16x1024xf32, #tpu.memory_space<vmem>> -> memref<1x16x1024xf32, #tpu.memory_space<vmem>>
      %dma_wait3A_426 = tpu.memref_squeeze %dma_wait3A_425 : memref<1x16x1024xf32, #tpu.memory_space<vmem>> -> memref<16x1024xf32, #tpu.memory_space<vmem>>
      %dma_wait3A_427 = arith.constant 0 : i32
      %dma_wait3A_428 = tpu.memref_slice %arg5[%add3A_421, %dma_wait3A_427] : memref<64x16xi32, #tpu.memory_space<vmem>> -> memref<1x16xi32, #tpu.memory_space<vmem>>
      %dma_wait3A_429 = tpu.memref_squeeze %dma_wait3A_428 : memref<1x16xi32, #tpu.memory_space<vmem>> -> memref<16xi32, #tpu.memory_space<vmem>>
      %dma_wait3A_430 = arith.constant 0 : i32
      %dma_wait3A_431 = arith.constant 0 : i32
      %dma_wait3A_432 = tpu.memref_slice %arg3[%dma_wait3A_430, %dma_wait3A_431] : memref<8192x1024xf32, #tpu.memory_space<hbm>> -> memref<8192x1024xf32, #tpu.memory_space<hbm>>
      tpu.wait_indirect_dma semaphore(%arg11 : memref<!tpu.dma_semaphore, #tpu.memory_space<semaphore_mem>>) src(%dma_wait3A_432 : memref<8192x1024xf32, #tpu.memory_space<hbm>>) dst(%dma_wait3A_426 : memref<16x1024xf32, #tpu.memory_space<vmem>>)
      %mul3A_433 = arith.constant 16 : i32
      %mul3A_434 = arith.muli %add3A_421, %mul3A_433 : i32
      %add3A_435 = arith.addi %mul3A_2, %mul3A_434 : i32
      %dma_start3A_436 = arith.constant 4 : i32
      %dma_start3A_437 = arith.constant 0 : i32
      %dma_start3A_438 = arith.constant 0 : i32
      %dma_start3A_439 = tpu.memref_slice %arg6[%dma_start3A_436, %dma_start3A_437, %dma_start3A_438] : memref<6x16x1024xf32, #tpu.memory_space<vmem>> -> memref<1x16x1024xf32, #tpu.memory_space<vmem>>
      %dma_start3A_440 = tpu.memref_squeeze %dma_start3A_439 : memref<1x16x1024xf32, #tpu.memory_space<vmem>> -> memref<16x1024xf32, #tpu.memory_space<vmem>>
      %dma_start3A_441 = arith.constant 0 : i32
      %dma_start3A_442 = tpu.memref_slice %arg4[%add3A_435, %dma_start3A_441] : memref<32768x1024xf32, #tpu.memory_space<hbm>> -> memref<16x1024xf32, #tpu.memory_space<hbm>>
      %dma_start3A_443 = arith.constant 0 : i32
      %dma_start3A_444 = tpu.memref_slice %arg4[%add3A_435, %dma_start3A_443] : memref<32768x1024xf32, #tpu.memory_space<hbm>> -> memref<16x1024xf32, #tpu.memory_space<hbm>>
      %dma_start3A_445 = arith.constant 0 : i32
      %dma_start3A_446 = arith.constant 0 : i32
      %dma_start3A_447 = tpu.memref_slice %arg6[%dma_start3A_436, %dma_start3A_445, %dma_start3A_446] : memref<6x16x1024xf32, #tpu.memory_space<vmem>> -> memref<1x16x1024xf32, #tpu.memory_space<vmem>>
      %dma_start3A_448 = tpu.memref_squeeze %dma_start3A_447 : memref<1x16x1024xf32, #tpu.memory_space<vmem>> -> memref<16x1024xf32, #tpu.memory_space<vmem>>
      tpu.enqueue_dma source(%dma_start3A_448 : memref<16x1024xf32, #tpu.memory_space<vmem>>) target(%dma_start3A_444 : memref<16x1024xf32, #tpu.memory_space<hbm>>) target_semaphore(%arg17 : memref<!tpu.dma_semaphore, #tpu.memory_space<semaphore_mem>>)
      %gt3A_449 = arith.constant 0 : i32
      %gt3A_450 = arith.cmpi sgt, %add3A_421, %gt3A_449 : i32
      %convert_element_type3A_451 = arith.extui %gt3A_450 : i1 to i32
      %cond3A_452 = arith.constant 0 : i32
      %cond3A_453 = arith.cmpi ne, %convert_element_type3A_451, %cond3A_452 : i32
      scf.if %cond3A_453 {
        %sub3A_506 = arith.constant 1 : i32
        %sub3A_507 = arith.subi %add3A_421, %sub3A_506 : i32
        %mul3A_508 = arith.constant 16 : i32
        %mul3A_509 = arith.muli %sub3A_507, %mul3A_508 : i32
        %add3A_510 = arith.addi %mul3A_2, %mul3A_509 : i32
        %dma_wait3A_511 = arith.constant 3 : i32
        %dma_wait3A_512 = arith.constant 0 : i32
        %dma_wait3A_513 = arith.constant 0 : i32
        %dma_wait3A_514 = tpu.memref_slice %arg6[%dma_wait3A_511, %dma_wait3A_512, %dma_wait3A_513] : memref<6x16x1024xf32, #tpu.memory_space<vmem>> -> memref<1x16x1024xf32, #tpu.memory_space<vmem>>
        %dma_wait3A_515 = tpu.memref_squeeze %dma_wait3A_514 : memref<1x16x1024xf32, #tpu.memory_space<vmem>> -> memref<16x1024xf32, #tpu.memory_space<vmem>>
        %dma_wait3A_516 = arith.constant 0 : i32
        %dma_wait3A_517 = tpu.memref_slice %arg4[%add3A_510, %dma_wait3A_516] : memref<32768x1024xf32, #tpu.memory_space<hbm>> -> memref<16x1024xf32, #tpu.memory_space<hbm>>
        %dma_wait3A_518 = arith.constant 0 : i32
        %dma_wait3A_519 = tpu.memref_slice %arg4[%add3A_510, %dma_wait3A_518] : memref<32768x1024xf32, #tpu.memory_space<hbm>> -> memref<16x1024xf32, #tpu.memory_space<hbm>>
        %dma_wait3A_520 = arith.constant 0 : i32
        %dma_wait3A_521 = arith.constant 0 : i32
        %dma_wait3A_522 = tpu.memref_slice %arg6[%dma_wait3A_511, %dma_wait3A_520, %dma_wait3A_521] : memref<6x16x1024xf32, #tpu.memory_space<vmem>> -> memref<1x16x1024xf32, #tpu.memory_space<vmem>>
        %dma_wait3A_523 = tpu.memref_squeeze %dma_wait3A_522 : memref<1x16x1024xf32, #tpu.memory_space<vmem>> -> memref<16x1024xf32, #tpu.memory_space<vmem>>
        tpu.wait_dma2 semaphore(%arg16 : memref<!tpu.dma_semaphore, #tpu.memory_space<semaphore_mem>>) src(%dma_wait3A_523 : memref<16x1024xf32, #tpu.memory_space<vmem>>) dst(%dma_wait3A_519 : memref<16x1024xf32, #tpu.memory_space<hbm>>)
      } else {
      }
      %add3A_454 = arith.constant 6 : i32
      %add3A_455 = arith.addi %add3A_421, %add3A_454 : i32
      %sub3A_456 = arith.constant 1 : i32
      %sub3A_457 = arith.subi %add3A_455, %sub3A_456 : i32
      %lt3A_458 = arith.constant 64 : i32
      %lt3A_459 = arith.cmpi slt, %sub3A_457, %lt3A_458 : i32
      %convert_element_type3A_460 = arith.extui %lt3A_459 : i1 to i32
      %cond3A_461 = arith.constant 0 : i32
      %cond3A_462 = arith.cmpi ne, %convert_element_type3A_460, %cond3A_461 : i32
      scf.if %cond3A_462 {
        %add3A_506 = arith.constant 6 : i32
        %add3A_507 = arith.addi %add3A_421, %add3A_506 : i32
        %sub3A_508 = arith.constant 1 : i32
        %sub3A_509 = arith.subi %add3A_507, %sub3A_508 : i32
        %dma_start3A_510 = arith.constant 3 : i32
        %dma_start3A_511 = arith.constant 0 : i32
        %dma_start3A_512 = arith.constant 0 : i32
        %dma_start3A_513 = tpu.memref_slice %arg6[%dma_start3A_510, %dma_start3A_511, %dma_start3A_512] : memref<6x16x1024xf32, #tpu.memory_space<vmem>> -> memref<1x16x1024xf32, #tpu.memory_space<vmem>>
        %dma_start3A_514 = tpu.memref_squeeze %dma_start3A_513 : memref<1x16x1024xf32, #tpu.memory_space<vmem>> -> memref<16x1024xf32, #tpu.memory_space<vmem>>
        %dma_start3A_515 = arith.constant 0 : i32
        %dma_start3A_516 = tpu.memref_slice %arg5[%sub3A_509, %dma_start3A_515] : memref<64x16xi32, #tpu.memory_space<vmem>> -> memref<1x16xi32, #tpu.memory_space<vmem>>
        %dma_start3A_517 = tpu.memref_squeeze %dma_start3A_516 : memref<1x16xi32, #tpu.memory_space<vmem>> -> memref<16xi32, #tpu.memory_space<vmem>>
        %dma_start3A_518 = arith.constant 0 : i32
        %dma_start3A_519 = arith.constant 0 : i32
        %dma_start3A_520 = tpu.memref_slice %arg3[%dma_start3A_518, %dma_start3A_519] : memref<8192x1024xf32, #tpu.memory_space<hbm>> -> memref<8192x1024xf32, #tpu.memory_space<hbm>>
        tpu.enqueue_indirect_dma source(%dma_start3A_520 : memref<8192x1024xf32, #tpu.memory_space<hbm>>) target(%dma_start3A_514 : memref<16x1024xf32, #tpu.memory_space<vmem>>) offsets(%dma_start3A_517 : memref<16xi32, #tpu.memory_space<vmem>>) semaphore(%arg10 : memref<!tpu.dma_semaphore, #tpu.memory_space<semaphore_mem>>)
      } else {
      }
      %add3A_463 = arith.constant 5 : i32
      %add3A_464 = arith.addi %add3A_252, %add3A_463 : i32
      %dma_wait3A_465 = arith.constant 5 : i32
      %dma_wait3A_466 = arith.constant 0 : i32
      %dma_wait3A_467 = arith.constant 0 : i32
      %dma_wait3A_468 = tpu.memref_slice %arg6[%dma_wait3A_465, %dma_wait3A_466, %dma_wait3A_467] : memref<6x16x1024xf32, #tpu.memory_space<vmem>> -> memref<1x16x1024xf32, #tpu.memory_space<vmem>>
      %dma_wait3A_469 = tpu.memref_squeeze %dma_wait3A_468 : memref<1x16x1024xf32, #tpu.memory_space<vmem>> -> memref<16x1024xf32, #tpu.memory_space<vmem>>
      %dma_wait3A_470 = arith.constant 0 : i32
      %dma_wait3A_471 = tpu.memref_slice %arg5[%add3A_464, %dma_wait3A_470] : memref<64x16xi32, #tpu.memory_space<vmem>> -> memref<1x16xi32, #tpu.memory_space<vmem>>
      %dma_wait3A_472 = tpu.memref_squeeze %dma_wait3A_471 : memref<1x16xi32, #tpu.memory_space<vmem>> -> memref<16xi32, #tpu.memory_space<vmem>>
      %dma_wait3A_473 = arith.constant 0 : i32
      %dma_wait3A_474 = arith.constant 0 : i32
      %dma_wait3A_475 = tpu.memref_slice %arg3[%dma_wait3A_473, %dma_wait3A_474] : memref<8192x1024xf32, #tpu.memory_space<hbm>> -> memref<8192x1024xf32, #tpu.memory_space<hbm>>
      tpu.wait_indirect_dma semaphore(%arg12 : memref<!tpu.dma_semaphore, #tpu.memory_space<semaphore_mem>>) src(%dma_wait3A_475 : memref<8192x1024xf32, #tpu.memory_space<hbm>>) dst(%dma_wait3A_469 : memref<16x1024xf32, #tpu.memory_space<vmem>>)
      %mul3A_476 = arith.constant 16 : i32
      %mul3A_477 = arith.muli %add3A_464, %mul3A_476 : i32
      %add3A_478 = arith.addi %mul3A_2, %mul3A_477 : i32
      %dma_start3A_479 = arith.constant 5 : i32
      %dma_start3A_480 = arith.constant 0 : i32
      %dma_start3A_481 = arith.constant 0 : i32
      %dma_start3A_482 = tpu.memref_slice %arg6[%dma_start3A_479, %dma_start3A_480, %dma_start3A_481] : memref<6x16x1024xf32, #tpu.memory_space<vmem>> -> memref<1x16x1024xf32, #tpu.memory_space<vmem>>
      %dma_start3A_483 = tpu.memref_squeeze %dma_start3A_482 : memref<1x16x1024xf32, #tpu.memory_space<vmem>> -> memref<16x1024xf32, #tpu.memory_space<vmem>>
      %dma_start3A_484 = arith.constant 0 : i32
      %dma_start3A_485 = tpu.memref_slice %arg4[%add3A_478, %dma_start3A_484] : memref<32768x1024xf32, #tpu.memory_space<hbm>> -> memref<16x1024xf32, #tpu.memory_space<hbm>>
      %dma_start3A_486 = arith.constant 0 : i32
      %dma_start3A_487 = tpu.memref_slice %arg4[%add3A_478, %dma_start3A_486] : memref<32768x1024xf32, #tpu.memory_space<hbm>> -> memref<16x1024xf32, #tpu.memory_space<hbm>>
      %dma_start3A_488 = arith.constant 0 : i32
      %dma_start3A_489 = arith.constant 0 : i32
      %dma_start3A_490 = tpu.memref_slice %arg6[%dma_start3A_479, %dma_start3A_488, %dma_start3A_489] : memref<6x16x1024xf32, #tpu.memory_space<vmem>> -> memref<1x16x1024xf32, #tpu.memory_space<vmem>>
      %dma_start3A_491 = tpu.memref_squeeze %dma_start3A_490 : memref<1x16x1024xf32, #tpu.memory_space<vmem>> -> memref<16x1024xf32, #tpu.memory_space<vmem>>
      tpu.enqueue_dma source(%dma_start3A_491 : memref<16x1024xf32, #tpu.memory_space<vmem>>) target(%dma_start3A_487 : memref<16x1024xf32, #tpu.memory_space<hbm>>) target_semaphore(%arg18 : memref<!tpu.dma_semaphore, #tpu.memory_space<semaphore_mem>>)
      %gt3A_492 = arith.constant 0 : i32
      %gt3A_493 = arith.cmpi sgt, %add3A_464, %gt3A_492 : i32
      %convert_element_type3A_494 = arith.extui %gt3A_493 : i1 to i32
      %cond3A_495 = arith.constant 0 : i32
      %cond3A_496 = arith.cmpi ne, %convert_element_type3A_494, %cond3A_495 : i32
      scf.if %cond3A_496 {
        %sub3A_506 = arith.constant 1 : i32
        %sub3A_507 = arith.subi %add3A_464, %sub3A_506 : i32
        %mul3A_508 = arith.constant 16 : i32
        %mul3A_509 = arith.muli %sub3A_507, %mul3A_508 : i32
        %add3A_510 = arith.addi %mul3A_2, %mul3A_509 : i32
        %dma_wait3A_511 = arith.constant 4 : i32
        %dma_wait3A_512 = arith.constant 0 : i32
        %dma_wait3A_513 = arith.constant 0 : i32
        %dma_wait3A_514 = tpu.memref_slice %arg6[%dma_wait3A_511, %dma_wait3A_512, %dma_wait3A_513] : memref<6x16x1024xf32, #tpu.memory_space<vmem>> -> memref<1x16x1024xf32, #tpu.memory_space<vmem>>
        %dma_wait3A_515 = tpu.memref_squeeze %dma_wait3A_514 : memref<1x16x1024xf32, #tpu.memory_space<vmem>> -> memref<16x1024xf32, #tpu.memory_space<vmem>>
        %dma_wait3A_516 = arith.constant 0 : i32
        %dma_wait3A_517 = tpu.memref_slice %arg4[%add3A_510, %dma_wait3A_516] : memref<32768x1024xf32, #tpu.memory_space<hbm>> -> memref<16x1024xf32, #tpu.memory_space<hbm>>
        %dma_wait3A_518 = arith.constant 0 : i32
        %dma_wait3A_519 = tpu.memref_slice %arg4[%add3A_510, %dma_wait3A_518] : memref<32768x1024xf32, #tpu.memory_space<hbm>> -> memref<16x1024xf32, #tpu.memory_space<hbm>>
        %dma_wait3A_520 = arith.constant 0 : i32
        %dma_wait3A_521 = arith.constant 0 : i32
        %dma_wait3A_522 = tpu.memref_slice %arg6[%dma_wait3A_511, %dma_wait3A_520, %dma_wait3A_521] : memref<6x16x1024xf32, #tpu.memory_space<vmem>> -> memref<1x16x1024xf32, #tpu.memory_space<vmem>>
        %dma_wait3A_523 = tpu.memref_squeeze %dma_wait3A_522 : memref<1x16x1024xf32, #tpu.memory_space<vmem>> -> memref<16x1024xf32, #tpu.memory_space<vmem>>
        tpu.wait_dma2 semaphore(%arg17 : memref<!tpu.dma_semaphore, #tpu.memory_space<semaphore_mem>>) src(%dma_wait3A_523 : memref<16x1024xf32, #tpu.memory_space<vmem>>) dst(%dma_wait3A_519 : memref<16x1024xf32, #tpu.memory_space<hbm>>)
      } else {
      }
      %add3A_497 = arith.constant 6 : i32
      %add3A_498 = arith.addi %add3A_464, %add3A_497 : i32
      %sub3A_499 = arith.constant 1 : i32
      %sub3A_500 = arith.subi %add3A_498, %sub3A_499 : i32
      %lt3A_501 = arith.constant 64 : i32
      %lt3A_502 = arith.cmpi slt, %sub3A_500, %lt3A_501 : i32
      %convert_element_type3A_503 = arith.extui %lt3A_502 : i1 to i32
      %cond3A_504 = arith.constant 0 : i32
      %cond3A_505 = arith.cmpi ne, %convert_element_type3A_503, %cond3A_504 : i32
      scf.if %cond3A_505 {
        %add3A_506 = arith.constant 6 : i32
        %add3A_507 = arith.addi %add3A_464, %add3A_506 : i32
        %sub3A_508 = arith.constant 1 : i32
        %sub3A_509 = arith.subi %add3A_507, %sub3A_508 : i32
        %dma_start3A_510 = arith.constant 4 : i32
        %dma_start3A_511 = arith.constant 0 : i32
        %dma_start3A_512 = arith.constant 0 : i32
        %dma_start3A_513 = tpu.memref_slice %arg6[%dma_start3A_510, %dma_start3A_511, %dma_start3A_512] : memref<6x16x1024xf32, #tpu.memory_space<vmem>> -> memref<1x16x1024xf32, #tpu.memory_space<vmem>>
        %dma_start3A_514 = tpu.memref_squeeze %dma_start3A_513 : memref<1x16x1024xf32, #tpu.memory_space<vmem>> -> memref<16x1024xf32, #tpu.memory_space<vmem>>
        %dma_start3A_515 = arith.constant 0 : i32
        %dma_start3A_516 = tpu.memref_slice %arg5[%sub3A_509, %dma_start3A_515] : memref<64x16xi32, #tpu.memory_space<vmem>> -> memref<1x16xi32, #tpu.memory_space<vmem>>
        %dma_start3A_517 = tpu.memref_squeeze %dma_start3A_516 : memref<1x16xi32, #tpu.memory_space<vmem>> -> memref<16xi32, #tpu.memory_space<vmem>>
        %dma_start3A_518 = arith.constant 0 : i32
        %dma_start3A_519 = arith.constant 0 : i32
        %dma_start3A_520 = tpu.memref_slice %arg3[%dma_start3A_518, %dma_start3A_519] : memref<8192x1024xf32, #tpu.memory_space<hbm>> -> memref<8192x1024xf32, #tpu.memory_space<hbm>>
        tpu.enqueue_indirect_dma source(%dma_start3A_520 : memref<8192x1024xf32, #tpu.memory_space<hbm>>) target(%dma_start3A_514 : memref<16x1024xf32, #tpu.memory_space<vmem>>) offsets(%dma_start3A_517 : memref<16xi32, #tpu.memory_space<vmem>>) semaphore(%arg11 : memref<!tpu.dma_semaphore, #tpu.memory_space<semaphore_mem>>)
      } else {
      }
    }
    %scan3A_65 = arith.constant 10 : i32
    %dma_wait3A = arith.constant 60 : i32
    %dma_wait3A_66 = arith.constant 0 : i32
    %dma_wait3A_67 = arith.constant 0 : i32
    %dma_wait3A_68 = arith.constant 0 : i32
    %dma_wait3A_69 = tpu.memref_slice %arg6[%dma_wait3A_66, %dma_wait3A_67, %dma_wait3A_68] : memref<6x16x1024xf32, #tpu.memory_space<vmem>> -> memref<1x16x1024xf32, #tpu.memory_space<vmem>>
    %dma_wait3A_70 = tpu.memref_squeeze %dma_wait3A_69 : memref<1x16x1024xf32, #tpu.memory_space<vmem>> -> memref<16x1024xf32, #tpu.memory_space<vmem>>
    %dma_wait3A_71 = arith.constant 0 : i32
    %dma_wait3A_72 = tpu.memref_slice %arg5[%dma_wait3A, %dma_wait3A_71] : memref<64x16xi32, #tpu.memory_space<vmem>> -> memref<1x16xi32, #tpu.memory_space<vmem>>
    %dma_wait3A_73 = tpu.memref_squeeze %dma_wait3A_72 : memref<1x16xi32, #tpu.memory_space<vmem>> -> memref<16xi32, #tpu.memory_space<vmem>>
    %dma_wait3A_74 = arith.constant 0 : i32
    %dma_wait3A_75 = arith.constant 0 : i32
    %dma_wait3A_76 = tpu.memref_slice %arg3[%dma_wait3A_74, %dma_wait3A_75] : memref<8192x1024xf32, #tpu.memory_space<hbm>> -> memref<8192x1024xf32, #tpu.memory_space<hbm>>
    tpu.wait_indirect_dma semaphore(%arg7 : memref<!tpu.dma_semaphore, #tpu.memory_space<semaphore_mem>>) src(%dma_wait3A_76 : memref<8192x1024xf32, #tpu.memory_space<hbm>>) dst(%dma_wait3A_70 : memref<16x1024xf32, #tpu.memory_space<vmem>>)
    %add3A_77 = arith.constant 960 : i32
    %add3A_78 = arith.addi %mul3A_2, %add3A_77 : i32
    %dma_start3A_79 = arith.constant 0 : i32
    %dma_start3A_80 = arith.constant 0 : i32
    %dma_start3A_81 = arith.constant 0 : i32
    %dma_start3A_82 = tpu.memref_slice %arg6[%dma_start3A_79, %dma_start3A_80, %dma_start3A_81] : memref<6x16x1024xf32, #tpu.memory_space<vmem>> -> memref<1x16x1024xf32, #tpu.memory_space<vmem>>
    %dma_start3A_83 = tpu.memref_squeeze %dma_start3A_82 : memref<1x16x1024xf32, #tpu.memory_space<vmem>> -> memref<16x1024xf32, #tpu.memory_space<vmem>>
    %dma_start3A_84 = arith.constant 0 : i32
    %dma_start3A_85 = tpu.memref_slice %arg4[%add3A_78, %dma_start3A_84] : memref<32768x1024xf32, #tpu.memory_space<hbm>> -> memref<16x1024xf32, #tpu.memory_space<hbm>>
    %dma_start3A_86 = arith.constant 0 : i32
    %dma_start3A_87 = tpu.memref_slice %arg4[%add3A_78, %dma_start3A_86] : memref<32768x1024xf32, #tpu.memory_space<hbm>> -> memref<16x1024xf32, #tpu.memory_space<hbm>>
    %dma_start3A_88 = arith.constant 0 : i32
    %dma_start3A_89 = arith.constant 0 : i32
    %dma_start3A_90 = tpu.memref_slice %arg6[%dma_start3A_79, %dma_start3A_88, %dma_start3A_89] : memref<6x16x1024xf32, #tpu.memory_space<vmem>> -> memref<1x16x1024xf32, #tpu.memory_space<vmem>>
    %dma_start3A_91 = tpu.memref_squeeze %dma_start3A_90 : memref<1x16x1024xf32, #tpu.memory_space<vmem>> -> memref<16x1024xf32, #tpu.memory_space<vmem>>
    tpu.enqueue_dma source(%dma_start3A_91 : memref<16x1024xf32, #tpu.memory_space<vmem>>) target(%dma_start3A_87 : memref<16x1024xf32, #tpu.memory_space<hbm>>) target_semaphore(%arg13 : memref<!tpu.dma_semaphore, #tpu.memory_space<semaphore_mem>>)
    %add3A_92 = arith.constant 944 : i32
    %add3A_93 = arith.addi %mul3A_2, %add3A_92 : i32
    %dma_wait3A_94 = arith.constant 5 : i32
    %dma_wait3A_95 = arith.constant 0 : i32
    %dma_wait3A_96 = arith.constant 0 : i32
    %dma_wait3A_97 = tpu.memref_slice %arg6[%dma_wait3A_94, %dma_wait3A_95, %dma_wait3A_96] : memref<6x16x1024xf32, #tpu.memory_space<vmem>> -> memref<1x16x1024xf32, #tpu.memory_space<vmem>>
    %dma_wait3A_98 = tpu.memref_squeeze %dma_wait3A_97 : memref<1x16x1024xf32, #tpu.memory_space<vmem>> -> memref<16x1024xf32, #tpu.memory_space<vmem>>
    %dma_wait3A_99 = arith.constant 0 : i32
    %dma_wait3A_100 = tpu.memref_slice %arg4[%add3A_93, %dma_wait3A_99] : memref<32768x1024xf32, #tpu.memory_space<hbm>> -> memref<16x1024xf32, #tpu.memory_space<hbm>>
    %dma_wait3A_101 = arith.constant 0 : i32
    %dma_wait3A_102 = tpu.memref_slice %arg4[%add3A_93, %dma_wait3A_101] : memref<32768x1024xf32, #tpu.memory_space<hbm>> -> memref<16x1024xf32, #tpu.memory_space<hbm>>
    %dma_wait3A_103 = arith.constant 0 : i32
    %dma_wait3A_104 = arith.constant 0 : i32
    %dma_wait3A_105 = tpu.memref_slice %arg6[%dma_wait3A_94, %dma_wait3A_103, %dma_wait3A_104] : memref<6x16x1024xf32, #tpu.memory_space<vmem>> -> memref<1x16x1024xf32, #tpu.memory_space<vmem>>
    %dma_wait3A_106 = tpu.memref_squeeze %dma_wait3A_105 : memref<1x16x1024xf32, #tpu.memory_space<vmem>> -> memref<16x1024xf32, #tpu.memory_space<vmem>>
    tpu.wait_dma2 semaphore(%arg18 : memref<!tpu.dma_semaphore, #tpu.memory_space<semaphore_mem>>) src(%dma_wait3A_106 : memref<16x1024xf32, #tpu.memory_space<vmem>>) dst(%dma_wait3A_102 : memref<16x1024xf32, #tpu.memory_space<hbm>>)
    %dma_wait3A_107 = arith.constant 61 : i32
    %dma_wait3A_108 = arith.constant 1 : i32
    %dma_wait3A_109 = arith.constant 0 : i32
    %dma_wait3A_110 = arith.constant 0 : i32
    %dma_wait3A_111 = tpu.memref_slice %arg6[%dma_wait3A_108, %dma_wait3A_109, %dma_wait3A_110] : memref<6x16x1024xf32, #tpu.memory_space<vmem>> -> memref<1x16x1024xf32, #tpu.memory_space<vmem>>
    %dma_wait3A_112 = tpu.memref_squeeze %dma_wait3A_111 : memref<1x16x1024xf32, #tpu.memory_space<vmem>> -> memref<16x1024xf32, #tpu.memory_space<vmem>>
    %dma_wait3A_113 = arith.constant 0 : i32
    %dma_wait3A_114 = tpu.memref_slice %arg5[%dma_wait3A_107, %dma_wait3A_113] : memref<64x16xi32, #tpu.memory_space<vmem>> -> memref<1x16xi32, #tpu.memory_space<vmem>>
    %dma_wait3A_115 = tpu.memref_squeeze %dma_wait3A_114 : memref<1x16xi32, #tpu.memory_space<vmem>> -> memref<16xi32, #tpu.memory_space<vmem>>
    %dma_wait3A_116 = arith.constant 0 : i32
    %dma_wait3A_117 = arith.constant 0 : i32
    %dma_wait3A_118 = tpu.memref_slice %arg3[%dma_wait3A_116, %dma_wait3A_117] : memref<8192x1024xf32, #tpu.memory_space<hbm>> -> memref<8192x1024xf32, #tpu.memory_space<hbm>>
    tpu.wait_indirect_dma semaphore(%arg8 : memref<!tpu.dma_semaphore, #tpu.memory_space<semaphore_mem>>) src(%dma_wait3A_118 : memref<8192x1024xf32, #tpu.memory_space<hbm>>) dst(%dma_wait3A_112 : memref<16x1024xf32, #tpu.memory_space<vmem>>)
    %add3A_119 = arith.constant 976 : i32
    %add3A_120 = arith.addi %mul3A_2, %add3A_119 : i32
    %dma_start3A_121 = arith.constant 1 : i32
    %dma_start3A_122 = arith.constant 0 : i32
    %dma_start3A_123 = arith.constant 0 : i32
    %dma_start3A_124 = tpu.memref_slice %arg6[%dma_start3A_121, %dma_start3A_122, %dma_start3A_123] : memref<6x16x1024xf32, #tpu.memory_space<vmem>> -> memref<1x16x1024xf32, #tpu.memory_space<vmem>>
    %dma_start3A_125 = tpu.memref_squeeze %dma_start3A_124 : memref<1x16x1024xf32, #tpu.memory_space<vmem>> -> memref<16x1024xf32, #tpu.memory_space<vmem>>
    %dma_start3A_126 = arith.constant 0 : i32
    %dma_start3A_127 = tpu.memref_slice %arg4[%add3A_120, %dma_start3A_126] : memref<32768x1024xf32, #tpu.memory_space<hbm>> -> memref<16x1024xf32, #tpu.memory_space<hbm>>
    %dma_start3A_128 = arith.constant 0 : i32
    %dma_start3A_129 = tpu.memref_slice %arg4[%add3A_120, %dma_start3A_128] : memref<32768x1024xf32, #tpu.memory_space<hbm>> -> memref<16x1024xf32, #tpu.memory_space<hbm>>
    %dma_start3A_130 = arith.constant 0 : i32
    %dma_start3A_131 = arith.constant 0 : i32
    %dma_start3A_132 = tpu.memref_slice %arg6[%dma_start3A_121, %dma_start3A_130, %dma_start3A_131] : memref<6x16x1024xf32, #tpu.memory_space<vmem>> -> memref<1x16x1024xf32, #tpu.memory_space<vmem>>
    %dma_start3A_133 = tpu.memref_squeeze %dma_start3A_132 : memref<1x16x1024xf32, #tpu.memory_space<vmem>> -> memref<16x1024xf32, #tpu.memory_space<vmem>>
    tpu.enqueue_dma source(%dma_start3A_133 : memref<16x1024xf32, #tpu.memory_space<vmem>>) target(%dma_start3A_129 : memref<16x1024xf32, #tpu.memory_space<hbm>>) target_semaphore(%arg14 : memref<!tpu.dma_semaphore, #tpu.memory_space<semaphore_mem>>)
    %add3A_134 = arith.constant 960 : i32
    %add3A_135 = arith.addi %mul3A_2, %add3A_134 : i32
    %dma_wait3A_136 = arith.constant 0 : i32
    %dma_wait3A_137 = arith.constant 0 : i32
    %dma_wait3A_138 = arith.constant 0 : i32
    %dma_wait3A_139 = tpu.memref_slice %arg6[%dma_wait3A_136, %dma_wait3A_137, %dma_wait3A_138] : memref<6x16x1024xf32, #tpu.memory_space<vmem>> -> memref<1x16x1024xf32, #tpu.memory_space<vmem>>
    %dma_wait3A_140 = tpu.memref_squeeze %dma_wait3A_139 : memref<1x16x1024xf32, #tpu.memory_space<vmem>> -> memref<16x1024xf32, #tpu.memory_space<vmem>>
    %dma_wait3A_141 = arith.constant 0 : i32
    %dma_wait3A_142 = tpu.memref_slice %arg4[%add3A_135, %dma_wait3A_141] : memref<32768x1024xf32, #tpu.memory_space<hbm>> -> memref<16x1024xf32, #tpu.memory_space<hbm>>
    %dma_wait3A_143 = arith.constant 0 : i32
    %dma_wait3A_144 = tpu.memref_slice %arg4[%add3A_135, %dma_wait3A_143] : memref<32768x1024xf32, #tpu.memory_space<hbm>> -> memref<16x1024xf32, #tpu.memory_space<hbm>>
    %dma_wait3A_145 = arith.constant 0 : i32
    %dma_wait3A_146 = arith.constant 0 : i32
    %dma_wait3A_147 = tpu.memref_slice %arg6[%dma_wait3A_136, %dma_wait3A_145, %dma_wait3A_146] : memref<6x16x1024xf32, #tpu.memory_space<vmem>> -> memref<1x16x1024xf32, #tpu.memory_space<vmem>>
    %dma_wait3A_148 = tpu.memref_squeeze %dma_wait3A_147 : memref<1x16x1024xf32, #tpu.memory_space<vmem>> -> memref<16x1024xf32, #tpu.memory_space<vmem>>
    tpu.wait_dma2 semaphore(%arg13 : memref<!tpu.dma_semaphore, #tpu.memory_space<semaphore_mem>>) src(%dma_wait3A_148 : memref<16x1024xf32, #tpu.memory_space<vmem>>) dst(%dma_wait3A_144 : memref<16x1024xf32, #tpu.memory_space<hbm>>)
    %dma_wait3A_149 = arith.constant 62 : i32
    %dma_wait3A_150 = arith.constant 2 : i32
    %dma_wait3A_151 = arith.constant 0 : i32
    %dma_wait3A_152 = arith.constant 0 : i32
    %dma_wait3A_153 = tpu.memref_slice %arg6[%dma_wait3A_150, %dma_wait3A_151, %dma_wait3A_152] : memref<6x16x1024xf32, #tpu.memory_space<vmem>> -> memref<1x16x1024xf32, #tpu.memory_space<vmem>>
    %dma_wait3A_154 = tpu.memref_squeeze %dma_wait3A_153 : memref<1x16x1024xf32, #tpu.memory_space<vmem>> -> memref<16x1024xf32, #tpu.memory_space<vmem>>
    %dma_wait3A_155 = arith.constant 0 : i32
    %dma_wait3A_156 = tpu.memref_slice %arg5[%dma_wait3A_149, %dma_wait3A_155] : memref<64x16xi32, #tpu.memory_space<vmem>> -> memref<1x16xi32, #tpu.memory_space<vmem>>
    %dma_wait3A_157 = tpu.memref_squeeze %dma_wait3A_156 : memref<1x16xi32, #tpu.memory_space<vmem>> -> memref<16xi32, #tpu.memory_space<vmem>>
    %dma_wait3A_158 = arith.constant 0 : i32
    %dma_wait3A_159 = arith.constant 0 : i32
    %dma_wait3A_160 = tpu.memref_slice %arg3[%dma_wait3A_158, %dma_wait3A_159] : memref<8192x1024xf32, #tpu.memory_space<hbm>> -> memref<8192x1024xf32, #tpu.memory_space<hbm>>
    tpu.wait_indirect_dma semaphore(%arg9 : memref<!tpu.dma_semaphore, #tpu.memory_space<semaphore_mem>>) src(%dma_wait3A_160 : memref<8192x1024xf32, #tpu.memory_space<hbm>>) dst(%dma_wait3A_154 : memref<16x1024xf32, #tpu.memory_space<vmem>>)
    %add3A_161 = arith.constant 992 : i32
    %add3A_162 = arith.addi %mul3A_2, %add3A_161 : i32
    %dma_start3A_163 = arith.constant 2 : i32
    %dma_start3A_164 = arith.constant 0 : i32
    %dma_start3A_165 = arith.constant 0 : i32
    %dma_start3A_166 = tpu.memref_slice %arg6[%dma_start3A_163, %dma_start3A_164, %dma_start3A_165] : memref<6x16x1024xf32, #tpu.memory_space<vmem>> -> memref<1x16x1024xf32, #tpu.memory_space<vmem>>
    %dma_start3A_167 = tpu.memref_squeeze %dma_start3A_166 : memref<1x16x1024xf32, #tpu.memory_space<vmem>> -> memref<16x1024xf32, #tpu.memory_space<vmem>>
    %dma_start3A_168 = arith.constant 0 : i32
    %dma_start3A_169 = tpu.memref_slice %arg4[%add3A_162, %dma_start3A_168] : memref<32768x1024xf32, #tpu.memory_space<hbm>> -> memref<16x1024xf32, #tpu.memory_space<hbm>>
    %dma_start3A_170 = arith.constant 0 : i32
    %dma_start3A_171 = tpu.memref_slice %arg4[%add3A_162, %dma_start3A_170] : memref<32768x1024xf32, #tpu.memory_space<hbm>> -> memref<16x1024xf32, #tpu.memory_space<hbm>>
    %dma_start3A_172 = arith.constant 0 : i32
    %dma_start3A_173 = arith.constant 0 : i32
    %dma_start3A_174 = tpu.memref_slice %arg6[%dma_start3A_163, %dma_start3A_172, %dma_start3A_173] : memref<6x16x1024xf32, #tpu.memory_space<vmem>> -> memref<1x16x1024xf32, #tpu.memory_space<vmem>>
    %dma_start3A_175 = tpu.memref_squeeze %dma_start3A_174 : memref<1x16x1024xf32, #tpu.memory_space<vmem>> -> memref<16x1024xf32, #tpu.memory_space<vmem>>
    tpu.enqueue_dma source(%dma_start3A_175 : memref<16x1024xf32, #tpu.memory_space<vmem>>) target(%dma_start3A_171 : memref<16x1024xf32, #tpu.memory_space<hbm>>) target_semaphore(%arg15 : memref<!tpu.dma_semaphore, #tpu.memory_space<semaphore_mem>>)
    %add3A_176 = arith.constant 976 : i32
    %add3A_177 = arith.addi %mul3A_2, %add3A_176 : i32
    %dma_wait3A_178 = arith.constant 1 : i32
    %dma_wait3A_179 = arith.constant 0 : i32
    %dma_wait3A_180 = arith.constant 0 : i32
    %dma_wait3A_181 = tpu.memref_slice %arg6[%dma_wait3A_178, %dma_wait3A_179, %dma_wait3A_180] : memref<6x16x1024xf32, #tpu.memory_space<vmem>> -> memref<1x16x1024xf32, #tpu.memory_space<vmem>>
    %dma_wait3A_182 = tpu.memref_squeeze %dma_wait3A_181 : memref<1x16x1024xf32, #tpu.memory_space<vmem>> -> memref<16x1024xf32, #tpu.memory_space<vmem>>
    %dma_wait3A_183 = arith.constant 0 : i32
    %dma_wait3A_184 = tpu.memref_slice %arg4[%add3A_177, %dma_wait3A_183] : memref<32768x1024xf32, #tpu.memory_space<hbm>> -> memref<16x1024xf32, #tpu.memory_space<hbm>>
    %dma_wait3A_185 = arith.constant 0 : i32
    %dma_wait3A_186 = tpu.memref_slice %arg4[%add3A_177, %dma_wait3A_185] : memref<32768x1024xf32, #tpu.memory_space<hbm>> -> memref<16x1024xf32, #tpu.memory_space<hbm>>
    %dma_wait3A_187 = arith.constant 0 : i32
    %dma_wait3A_188 = arith.constant 0 : i32
    %dma_wait3A_189 = tpu.memref_slice %arg6[%dma_wait3A_178, %dma_wait3A_187, %dma_wait3A_188] : memref<6x16x1024xf32, #tpu.memory_space<vmem>> -> memref<1x16x1024xf32, #tpu.memory_space<vmem>>
    %dma_wait3A_190 = tpu.memref_squeeze %dma_wait3A_189 : memref<1x16x1024xf32, #tpu.memory_space<vmem>> -> memref<16x1024xf32, #tpu.memory_space<vmem>>
    tpu.wait_dma2 semaphore(%arg14 : memref<!tpu.dma_semaphore, #tpu.memory_space<semaphore_mem>>) src(%dma_wait3A_190 : memref<16x1024xf32, #tpu.memory_space<vmem>>) dst(%dma_wait3A_186 : memref<16x1024xf32, #tpu.memory_space<hbm>>)
    %dma_wait3A_191 = arith.constant 63 : i32
    %dma_wait3A_192 = arith.constant 3 : i32
    %dma_wait3A_193 = arith.constant 0 : i32
    %dma_wait3A_194 = arith.constant 0 : i32
    %dma_wait3A_195 = tpu.memref_slice %arg6[%dma_wait3A_192, %dma_wait3A_193, %dma_wait3A_194] : memref<6x16x1024xf32, #tpu.memory_space<vmem>> -> memref<1x16x1024xf32, #tpu.memory_space<vmem>>
    %dma_wait3A_196 = tpu.memref_squeeze %dma_wait3A_195 : memref<1x16x1024xf32, #tpu.memory_space<vmem>> -> memref<16x1024xf32, #tpu.memory_space<vmem>>
    %dma_wait3A_197 = arith.constant 0 : i32
    %dma_wait3A_198 = tpu.memref_slice %arg5[%dma_wait3A_191, %dma_wait3A_197] : memref<64x16xi32, #tpu.memory_space<vmem>> -> memref<1x16xi32, #tpu.memory_space<vmem>>
    %dma_wait3A_199 = tpu.memref_squeeze %dma_wait3A_198 : memref<1x16xi32, #tpu.memory_space<vmem>> -> memref<16xi32, #tpu.memory_space<vmem>>
    %dma_wait3A_200 = arith.constant 0 : i32
    %dma_wait3A_201 = arith.constant 0 : i32
    %dma_wait3A_202 = tpu.memref_slice %arg3[%dma_wait3A_200, %dma_wait3A_201] : memref<8192x1024xf32, #tpu.memory_space<hbm>> -> memref<8192x1024xf32, #tpu.memory_space<hbm>>
    tpu.wait_indirect_dma semaphore(%arg10 : memref<!tpu.dma_semaphore, #tpu.memory_space<semaphore_mem>>) src(%dma_wait3A_202 : memref<8192x1024xf32, #tpu.memory_space<hbm>>) dst(%dma_wait3A_196 : memref<16x1024xf32, #tpu.memory_space<vmem>>)
    %add3A_203 = arith.constant 1008 : i32
    %add3A_204 = arith.addi %mul3A_2, %add3A_203 : i32
    %dma_start3A_205 = arith.constant 3 : i32
    %dma_start3A_206 = arith.constant 0 : i32
    %dma_start3A_207 = arith.constant 0 : i32
    %dma_start3A_208 = tpu.memref_slice %arg6[%dma_start3A_205, %dma_start3A_206, %dma_start3A_207] : memref<6x16x1024xf32, #tpu.memory_space<vmem>> -> memref<1x16x1024xf32, #tpu.memory_space<vmem>>
    %dma_start3A_209 = tpu.memref_squeeze %dma_start3A_208 : memref<1x16x1024xf32, #tpu.memory_space<vmem>> -> memref<16x1024xf32, #tpu.memory_space<vmem>>
    %dma_start3A_210 = arith.constant 0 : i32
    %dma_start3A_211 = tpu.memref_slice %arg4[%add3A_204, %dma_start3A_210] : memref<32768x1024xf32, #tpu.memory_space<hbm>> -> memref<16x1024xf32, #tpu.memory_space<hbm>>
    %dma_start3A_212 = arith.constant 0 : i32
    %dma_start3A_213 = tpu.memref_slice %arg4[%add3A_204, %dma_start3A_212] : memref<32768x1024xf32, #tpu.memory_space<hbm>> -> memref<16x1024xf32, #tpu.memory_space<hbm>>
    %dma_start3A_214 = arith.constant 0 : i32
    %dma_start3A_215 = arith.constant 0 : i32
    %dma_start3A_216 = tpu.memref_slice %arg6[%dma_start3A_205, %dma_start3A_214, %dma_start3A_215] : memref<6x16x1024xf32, #tpu.memory_space<vmem>> -> memref<1x16x1024xf32, #tpu.memory_space<vmem>>
    %dma_start3A_217 = tpu.memref_squeeze %dma_start3A_216 : memref<1x16x1024xf32, #tpu.memory_space<vmem>> -> memref<16x1024xf32, #tpu.memory_space<vmem>>
    tpu.enqueue_dma source(%dma_start3A_217 : memref<16x1024xf32, #tpu.memory_space<vmem>>) target(%dma_start3A_213 : memref<16x1024xf32, #tpu.memory_space<hbm>>) target_semaphore(%arg16 : memref<!tpu.dma_semaphore, #tpu.memory_space<semaphore_mem>>)
    %add3A_218 = arith.constant 992 : i32
    %add3A_219 = arith.addi %mul3A_2, %add3A_218 : i32
    %dma_wait3A_220 = arith.constant 2 : i32
    %dma_wait3A_221 = arith.constant 0 : i32
    %dma_wait3A_222 = arith.constant 0 : i32
    %dma_wait3A_223 = tpu.memref_slice %arg6[%dma_wait3A_220, %dma_wait3A_221, %dma_wait3A_222] : memref<6x16x1024xf32, #tpu.memory_space<vmem>> -> memref<1x16x1024xf32, #tpu.memory_space<vmem>>
    %dma_wait3A_224 = tpu.memref_squeeze %dma_wait3A_223 : memref<1x16x1024xf32, #tpu.memory_space<vmem>> -> memref<16x1024xf32, #tpu.memory_space<vmem>>
    %dma_wait3A_225 = arith.constant 0 : i32
    %dma_wait3A_226 = tpu.memref_slice %arg4[%add3A_219, %dma_wait3A_225] : memref<32768x1024xf32, #tpu.memory_space<hbm>> -> memref<16x1024xf32, #tpu.memory_space<hbm>>
    %dma_wait3A_227 = arith.constant 0 : i32
    %dma_wait3A_228 = tpu.memref_slice %arg4[%add3A_219, %dma_wait3A_227] : memref<32768x1024xf32, #tpu.memory_space<hbm>> -> memref<16x1024xf32, #tpu.memory_space<hbm>>
    %dma_wait3A_229 = arith.constant 0 : i32
    %dma_wait3A_230 = arith.constant 0 : i32
    %dma_wait3A_231 = tpu.memref_slice %arg6[%dma_wait3A_220, %dma_wait3A_229, %dma_wait3A_230] : memref<6x16x1024xf32, #tpu.memory_space<vmem>> -> memref<1x16x1024xf32, #tpu.memory_space<vmem>>
    %dma_wait3A_232 = tpu.memref_squeeze %dma_wait3A_231 : memref<1x16x1024xf32, #tpu.memory_space<vmem>> -> memref<16x1024xf32, #tpu.memory_space<vmem>>
    tpu.wait_dma2 semaphore(%arg15 : memref<!tpu.dma_semaphore, #tpu.memory_space<semaphore_mem>>) src(%dma_wait3A_232 : memref<16x1024xf32, #tpu.memory_space<vmem>>) dst(%dma_wait3A_228 : memref<16x1024xf32, #tpu.memory_space<hbm>>)
    %add3A_233 = arith.constant 1008 : i32
    %add3A_234 = arith.addi %mul3A_2, %add3A_233 : i32
    %dma_wait3A_235 = arith.constant 3 : i32
    %dma_wait3A_236 = arith.constant 0 : i32
    %dma_wait3A_237 = arith.constant 0 : i32
    %dma_wait3A_238 = tpu.memref_slice %arg6[%dma_wait3A_235, %dma_wait3A_236, %dma_wait3A_237] : memref<6x16x1024xf32, #tpu.memory_space<vmem>> -> memref<1x16x1024xf32, #tpu.memory_space<vmem>>
    %dma_wait3A_239 = tpu.memref_squeeze %dma_wait3A_238 : memref<1x16x1024xf32, #tpu.memory_space<vmem>> -> memref<16x1024xf32, #tpu.memory_space<vmem>>
    %dma_wait3A_240 = arith.constant 0 : i32
    %dma_wait3A_241 = tpu.memref_slice %arg4[%add3A_234, %dma_wait3A_240] : memref<32768x1024xf32, #tpu.memory_space<hbm>> -> memref<16x1024xf32, #tpu.memory_space<hbm>>
    %dma_wait3A_242 = arith.constant 0 : i32
    %dma_wait3A_243 = tpu.memref_slice %arg4[%add3A_234, %dma_wait3A_242] : memref<32768x1024xf32, #tpu.memory_space<hbm>> -> memref<16x1024xf32, #tpu.memory_space<hbm>>
    %dma_wait3A_244 = arith.constant 0 : i32
    %dma_wait3A_245 = arith.constant 0 : i32
    %dma_wait3A_246 = tpu.memref_slice %arg6[%dma_wait3A_235, %dma_wait3A_244, %dma_wait3A_245] : memref<6x16x1024xf32, #tpu.memory_space<vmem>> -> memref<1x16x1024xf32, #tpu.memory_space<vmem>>
    %dma_wait3A_247 = tpu.memref_squeeze %dma_wait3A_246 : memref<1x16x1024xf32, #tpu.memory_space<vmem>> -> memref<16x1024xf32, #tpu.memory_space<vmem>>
    tpu.wait_dma2 semaphore(%arg16 : memref<!tpu.dma_semaphore, #tpu.memory_space<semaphore_mem>>) src(%dma_wait3A_247 : memref<16x1024xf32, #tpu.memory_space<vmem>>) dst(%dma_wait3A_243 : memref<16x1024xf32, #tpu.memory_space<hbm>>)
    return
  }
}

</mosaic_0001>

<sc_bundles>
// kernel: kernel.3.cloned.1.call-start
scs
__scs_entry_jumppad:
0x0: {  	(pc) =	sbr.rel $0x88, $3  }
0x1: {  	(tag) =	ssettag $0x0;
	lr =	simm.s32 $0x1  }
0x2: {  	[smem:$0x3F9F] =	sst lr;
	_ =	strace $0xD0000000  }
0x3: {  	_ = 	snop  }
0x4: {  	_ = 	snop  }
0x5: {  	_ = 	snop  }
0x6: {  	_ = 	snop  }
0x7: {  	_ = 	snop  }
__scs_overlays_trampoline_lowered:
0x8: {  	[smem:$0x3FAE] =	sst s0  }
0x9: {  	[smem:$0x3FAF] =	sst s1  }
0xa: {  	[smem:$0x3FB0] =	sst s2  }
0xb: {  	[smem:$0x3FB1] =	sst s3  }
0xc: {  	[smem:$0x3FB2] =	sst s4  }
0xd: {  	[smem:$0x3FB3] =	sst s5  }
0xe: {  	[smem:$0x3FB4] =	sst s6  }
0xf: {  	[smem:$0x3FB5] =	sst s7  }
0x10: {  	[smem:$0x3FB6] =	sst s8  }
0x11: {  	[smem:$0x3FB7] =	sst s9;
	s0 =	simm.s32 @!p0 $0x0  }
0x12: {  	s1 =	sld [smem:$0x3F9D];
	s0 =	simm.s32 @p0 $0x1  }
0x13: {  	[smem:$0x3FB8] =	sst s0;
	s0 =	simm.s32 @!p1 $0x0  }
0x14: {  	s2 =	sld [smem:$0x3F9C];
	s0 =	simm.s32 @p1 $0x1  }
0x15: {  	[smem:$0x3FB9] =	sst s0;
	s0 =	simm.s32 @!p2 $0x0  }
0x16: {  	s3 =	sld [smem:$0x3FDB];
	s0 =	simm.s32 @p2 $0x1  }
0x17: {  	s4 =	simm.s32 $0x1BF5;
	[smem:$0x3FBB] =	sst s0  }
0x18: {  	s0 =	sld [smem:$0x3F9E];
	_ =	swait.ge [sflag:s4], $0x0  }
0x19: {  	s7 =	sld [smem:$0x3F9F]  }
0x1a: {  	s8 =	sadd.s32 $0xFFFFE003, lr  }
0x1b: {  	s9 =	sadd.s32 $0xFFFFFEF7, lr;
	s5 =	simm.s32 $0xFFFFFFFF;
	p2 =	slt.u32 s8, $0xFFFFF086  }
0x1c: {  	p1 =	slt.u32 s9, $0xF7A;
	s5 =	simm.s32 @!p2 $0x0  }
0x1d: {  	s5 =	simm.s32 @p1 $0x1;
	p0 =	seq.s32 s7, s2  }
0x1e: {  	s7 =	smul.u32 @!p0 $0xF7A, s2;
	p2 =	seq.s32 @!p0 s5, $0x0  }
0x1f: {  	s9 =	smul.u32 $0xF7A, s1;
	s8 =	simm.s32 @!p0 $0x1BF5;
	p2 =	por !p2, p0  }
0x20: {  	[sflag:s8] =	ssyncset.s32 @!p0 $0xFFFFF086;
	s6 =	sadd.s32 @!p0 s3, s7;
	s7 =	simm.s32 @!p0 $0x108  }
0x21: {  	s3 =	sadd.s32 s3, s9;
	s6 =	sadd.s32 @!p0 $0x88, s6;
	s7 =	simm.s32 @p2 $0x1082  }
0x22: {  	[simem:s7], [sflag:s8] =	dma.local @!p0 [hbm:s6], $0xF7A  }
0x23: {  	s9 =	sor.u32 $0xD0000000, s2;
	s6 =	simm.s32 $0x108;
	_ =	swait.ge @!p0 [sflag:s8], $0x0  }
0x24: {  	s3 =	sadd.s32 $0x88, s3;
	s6 =	simm.s32 @!p1 $0x1082;
	[sflag:s4] =	ssyncset.s32 $0xFFFFF086  }
0x25: {  	[simem:s6], [sflag:s4] =	dma.local [hbm:s3], $0xF7A  }
0x26: {  	[smem:$0x3F9F] =	sst s1;
	(tag) =	ssettag s2;
	_ =	strace s9  }
0x27: {  	s1 =	sld [smem:$0x3FAF]  }
0x28: {  	s2 =	sld [smem:$0x3FB0]  }
0x29: {  	s4 =	sld [smem:$0x3FB2]  }
0x2a: {  	p0 =	seq.s32 s5, $0x0;
	s5 =	sld [smem:$0x3FB3]  }
0x2b: {  	s6 =	sld [smem:$0x3FB4]  }
0x2c: {  	s7 =	sld [smem:$0x3FB5]  }
0x2d: {  	s3 =	simm.s32 $0x108;
	s8 =	sld [smem:$0x3FB6]  }
0x2e: {  	s3 =	simm.s32 @!p0 $0x1082;
	s9 =	sld [smem:$0x3FB7]  }
0x2f: {  	lr =	sadd.s32 s0, s3;
	s0 =	sld [smem:$0x3FAE]  }
0x30: {  	s3 =	sld [smem:$0x3FB1]  }
0x31: {  	[smem:$0x3FBA] =	sst s10  }
0x32: {  	s10 =	sld [smem:$0x3FB8];
	_ =	sdelay $0x3  }
0x33: {  	p0 =	seq.s32 s10, $0x1;
	s10 =	sld [smem:$0x3FBA];
	_ =	sdelay $0x3  }
0x34: {  	[smem:$0x3FBA] =	sst s10  }
0x35: {  	s10 =	sld [smem:$0x3FB9];
	_ =	sdelay $0x3  }
0x36: {  	p1 =	seq.s32 s10, $0x1;
	s10 =	sld [smem:$0x3FBA];
	_ =	sdelay $0x3  }
0x37: {  	[smem:$0x3FBA] =	sst s10  }
0x38: {  	s10 =	sld [smem:$0x3FBB]  }
0x39: {  	_ = 	snop;
	(pc) =	sbr.ind lr, $3  }
0x3a: {  	_ = 	snop  }
0x3b: {  	_ = 	snop  }
0x3c: {  	p2 =	seq.s32 s10, $0x1;
	s10 =	sld [smem:$0x3FBA]  }
0x3d: {  	_ =	shalt  }
0x3e: {  	_ =	shalt  }
0x3f: {  	_ =	shalt  }
0x40: {  	_ =	shalt  }
0x41: {  	_ =	shalt  }
0x42: {  	_ =	shalt  }
0x43: {  	_ =	shalt  }
0x44: {  	_ =	shalt  }
0x45: {  	_ =	shalt  }
0x46: {  	_ =	shalt  }
0x47: {  	_ =	shalt  }
0x48: {  	_ =	shalt  }
0x49: {  	_ =	shalt  }
0x4a: {  	_ =	shalt  }
0x4b: {  	_ =	shalt  }
0x4c: {  	_ =	shalt  }
0x4d: {  	_ =	shalt  }
0x4e: {  	_ =	shalt  }
0x4f: {  	_ =	shalt  }
0x50: {  	_ =	shalt  }
0x51: {  	_ =	shalt  }
0x52: {  	_ =	shalt  }
0x53: {  	_ =	shalt  }
0x54: {  	_ =	shalt  }
0x55: {  	_ =	shalt  }
0x56: {  	_ =	shalt  }
0x57: {  	_ =	shalt  }
0x58: {  	_ =	shalt  }
0x59: {  	_ =	shalt  }
0x5a: {  	_ =	shalt  }
0x5b: {  	_ =	shalt  }
0x5c: {  	_ =	shalt  }
0x5d: {  	_ =	shalt  }
0x5e: {  	_ =	shalt  }
0x5f: {  	_ =	shalt  }
0x60: {  	_ =	shalt  }
0x61: {  	_ =	shalt  }
0x62: {  	_ =	shalt  }
0x63: {  	_ =	shalt  }
0x64: {  	_ =	shalt  }
0x65: {  	_ =	shalt  }
0x66: {  	_ =	shalt  }
0x67: {  	_ =	shalt  }
0x68: {  	_ =	shalt  }
0x69: {  	_ =	shalt  }
0x6a: {  	_ =	shalt  }
0x6b: {  	_ =	shalt  }
0x6c: {  	_ =	shalt  }
0x6d: {  	_ =	shalt  }
0x6e: {  	_ =	shalt  }
0x6f: {  	_ =	shalt  }
0x70: {  	_ =	shalt  }
0x71: {  	_ =	shalt  }
0x72: {  	_ =	shalt  }
0x73: {  	_ =	shalt  }
0x74: {  	_ =	shalt  }
0x75: {  	_ =	shalt  }
0x76: {  	_ =	shalt  }
0x77: {  	_ =	shalt  }
0x78: {  	_ =	shalt  }
0x79: {  	_ =	shalt  }
0x7a: {  	_ =	shalt  }
0x7b: {  	_ =	shalt  }
0x7c: {  	_ =	shalt  }
0x7d: {  	_ =	shalt  }
0x7e: {  	_ =	shalt  }
0x7f: {  	_ =	shalt  }
0x80: {  	_ =	shalt  }
0x81: {  	_ =	shalt  }
0x82: {  	_ =	shalt  }
0x83: {  	_ =	shalt  }
0x84: {  	_ =	shalt  }
0x85: {  	_ =	shalt  }
0x86: {  	_ =	shalt  }
0x87: {  	_ =	shalt  }
.Lfunc_end0:
.L_simem_size_0:
called_computation_lowered:
.L_overlay_start_0:
0x88: {  	s2 =	sld [smem:$0x3FD9]  }
0x89: {  	s3 =	sld [smem:$0x3FFE];
	_ =	sdelay $0x1  }
0x8a: {  	s1 =	srdreg.scid  }
0x8b: {  	s0 =	sand.u32 $0x1, s1  }
0x8c: {  	s17 =	sshll.u32 s0, $0xA;
	s2 =	sadd.s32 s3, s2  }
0x8d: {  	s2 =	sadd.s32 s2, s17  }
0x8e: {  	[smem:$0x3FC6] =	sst s2  }
0x8f: {  	_ = 	snop  }
0x90: {  	s2 =	sld [smem:$0x3FC8]  }
0x91: {  	s18 =	sld [smem:$0x3FD0];
	(tm) =	ssettm $0x1  }
0x92: {  	s4 =	sld [smem:$0x3FFB];
	_ =	sdelay $0x3  }
0x93: {  	_ =	strace s4  }
0x94: {  	s4 =	sld [smem:$0x3FFC];
	_ =	sdelay $0x3  }
0x95: {  	_ =	strace s4  }
0x96: {  	s4 =	sld [smem:$0x3FFD];
	_ =	sdelay $0x3  }
0x97: {  	_ =	strace s4  }
0x98: {  	_ =	strace $0x8FFFFFFF  }
0x99: {  	s19 =	sld [smem:$0x3FDB];
	_ =	sdelay $0x1  }
0x9a: {  	s5 =	simm.s32 $_scs_section_size  }
0x9b: {  	s6 =	simm.s32 $_size__tile_overlayer_lowered;
	s7 =	simm.s32 $_tile_overlayer_lowered  }
0x9c: {  	s22 =	simm.s32 $0x1BFF;
	s21 =	sshll.u32 s7, $0x1;
	s4 =	sadd.s32 s5, s19  }
0x9d: {  	s8 =	simm.s32 $0x0;
	s20 =	sshll.u32 s6, $0x1;
	s6 =	sadd.s32 s21, s4  }
0x9e: {  	[timem:s8], [sflag:s22] =	dma.local [hbm:s6], s20  }
0x9f: {  	_ =	swait.ge [sflag:s22], s20  }
0xa0: {  	s5 =	ssub.s32 $0x0, s20;
	[sflag:s22] =	ssyncset.done $0x0  }
0xa1: {  	[sflag:s22] =	ssyncadd.s32 s5;
	_ =	sdelay $0x1  }
0xa2: {  	s23 =	simm.s32 $0x1B8B  }
0xa3: {  	_ =	swait.ge [sflag:s23], $0x1  }
0xa4: {  	[sflag:s23] =	ssyncset.done $0x0  }
0xa5: {  	s25 =	simm.s32 $0x1B8E;
	s24 =	sld [smem:$0x3FFE];
	[sflag:s23] =	ssyncadd.s32 $0xFFFFFFFF  }
0xa6: {  	s26 =	simm.s32 $execute0_lowered;
	[smem:$0x3FD2] =	sst s25  }
0xa7: {  	s6 =	sshll.u32 s26, $0x1;
	_ =	strace $0x80000046;
	[dreg:$0x1] =	wrdreg $0xFFFFFFFF  }
0xa8: {  	s28 =	simm.s32 $_size_execute0_lowered;
	s4 =	sadd.s32 s4, s6;
	[dreg:$0x0] =	wrdreg $0x0  }
0xa9: {  	s6 =	sshll.u32 s28, $0x1;
	[dreg:$0x2] =	wrdreg s4  }
0xaa: {  	[dreg:$0x3] =	wrdreg s6  }
0xab: {  	[dreg:$0x4] =	wrdreg $0xC0  }
0xac: {  	_ =	task [dreg:s8], $0x5FFFF  }
0xad: {  	[dreg:$0x1] =	wrdreg $0xFFFFFFFF  }
0xae: {  	[dreg:$0x0] =	wrdreg $0x60  }
0xaf: {  	[dreg:$0x2] =	wrdreg s24  }
0xb0: {  	[dreg:$0x3] =	wrdreg s2  }
0xb1: {  	[dreg:$0x4] =	wrdreg s18  }
0xb2: {  	[dreg:$0x5] =	wrdreg $0x9  }
0xb3: {  	_ =	task.clear_ibuf [dreg:s8], $0x6FFFF;
	_ =	strace $0x90000046  }
0xb4: {  	s29 =	simm.s32 $0x9;
	_ =	strace $0x80000048  }
0xb5: {  	_ =	swait.ge [sflag:s29], $0x1  }
0xb6: {  	[sflag:s29] =	ssyncadd.s32 $0xFFFFFFFF  }
0xb7: {  	_ =	strace $0x90000048  }
0xb8: {  	_ =	sfence  }
0xb9: {  	s30 =	sld [smem:$0x0];
	_ =	sdelay $0x2  }
0xba: {  	s31 =	sshll.u32 s1, $0xD;
	s1 =	sshrl.u32 s1, $0x2  }
0xbb: {  	s3 =	sand.u32 $0x4000, s31;
	s1 =	sadd.s32 s1, s30  }
0xbc: {  	s0 =	sor.u32 s3, s0;
	s1 =	sshll.u32 s1, $0x11  }
0xbd: {  	s0 =	sor.u32 s1, s0  }
0xbe: {  	s0 =	sadd.s32 $0x8F2B, s0  }
0xbf: {  	[sflag:s0] =	ssyncadd.remote.s32 $0x1  }
0xc0: {  	_ =	sfence.sel $0xFFFF  }
0xc1: {  	[dreg:$0x0] =	wrdreg $0xFFFFFFFF;
	(pc) =	sbr.abs _section_cstart, $3  }
0xc2: {  	[dreg:$0x1] =	wrdreg $0xFFFFFFFF  }
0xc3: {  	_ =	task.clear_ibuf [dreg:s8], $0x2FFFF;
	_ =	strace $0x9FFFFFFF  }
0xc4: {  	(tm) =	ssettm $0x7FFFFFFF  }
0xc5: {  	_ =	shalt  }
tec
execute0_lowered:
.L_overlay_start_1:
0x0: {  	(tag) =	ssettag $0x1  }
0x1: {  	s0 =	rddreg [dreg:$0x0]  }
0x2: {  	s2 =	rddreg [dreg:$0x1];
	s1 =	srdreg.scid  }
0x3: {  	s11 =	stileid.u32;
	s4 =	rddreg [dreg:$0x2]  }
0x4: {  	s3 =	simm.s32 $0x0;
	s16 =	simm.s32 $0x2000;
	s17 =	simm.s32 $0xE000  }
0x5: {  	s29 =	simm.s32 $0x18800;
	s30 =	simm.s32 $0x19000;
	s18 =	simm.s32 $0x19800  }
0x6: {  	s31 =	simm.s32 $0x2;
	s1 =	sand.u32 $0x1, s1;
	s5 =	sshll.u32 s11, $0x1  }
0x7: {  	[smem:$0x7FF] =	sst s3;
	s7 =	sadd.s32 $0x300, s2;
	s21 =	sshll.u32 s11, $0x15  }
0x8: {  	s26 =	sshll.u32 s11, $0x12;
	s8 =	sor.u32 s1, s5;
	s6 =	ssub.s32 $0x2, s1  }
0x9: {  	_ =	strace $0x80000047;
	s10 =	sshll.u32 s1, $0x14;
	s28 =	sadd.s32 s26, s4  }
0xa: {  	s1 =	sshll.u32 s1, $0x11;
	s26 =	simm.s32 $0x12000;
	s5 =	sshll.u32 s8, $0xA  }
0xb: {  	s19 =	sshrl.u32 s6, $0x1;
	s20 =	sshll.u32 s8, $0x11;
	s8 =	sor.u32 s10, s21  }
0xc: {  	s14 =	sadd.s32 s1, s28;
	s10 =	simm.s32 $0x16000;
	s1 =	simm.s32 $0x3  }
0xd: {  	s21 =	simm.s32 $0x9;
	s0 =	sadd.s32 s5, s0;
	s9 =	ssub.s32 s6, s19  }
0xe: {  	s5 =	sadd.s32 $0x100, s2;
	s6 =	sadd.s32 $0x200, s2;
	s24 =	sor.u32 $0x4000, s8  }
0xf: {  	s19 =	simm.s32 $0x7;
	s8 =	simm.s32 $0x5;
	s0 =	sadd.s32 $0x400, s0  }
0x10: {  	s25 =	smax.u32 s9, $0x1;
	[dreg:$0x4] =	wrdreg s0;
	s0 =	sadd.s32 s20, s4  }
0x11: {  	s9 =	simm.s32 $0x1;
	[dreg:$0x9] =	wrdreg s25;
	s12 =	sadd.s32 $0x1E000, s0  }
0x12: {  	s20 =	simm.s32 $0x8;
	s22 =	sadd.s32 $0x1E800, s0;
	[dreg:$0x5] =	wrdreg s12  }
.Ltmp0:
0x13: {  	s23 =	sadd.s32 $0x1F000, s0;
	[dreg:$0x6] =	wrdreg s22;
	(pc) =	sbr.rel .LBB2_1-.Ltmp0, $4  }
0x14: {  	s25 =	simm.s32 $0xB;
	s0 =	sadd.s32 $0x1F800, s0;
	[dreg:$0x7] =	wrdreg s23  }
0x15: {  	v2 =	vlaneseq.u32;
	[dreg:$0x8] =	wrdreg s0;
	s0 =	sshrl.u32 s24, $0x3;
	s24 =	simm.s32 $0x6000  }
0x16: {  	vm0 =	vmmov $0xffff;
	v1 =	vshrl.u32 v2, $0x3;
	s22 =	simm.s32 $0xA;
	s23 =	simm.s32 $0x6;
	s12 =	simm.s32 $0x0  }
0x17: {  	v0 =	vand.u32 $0x7, v2;
	v2 =	vor.u32 $0x8, v2;
	v1 =	vmul.u32 $0x8, v1;
	s13 =	sadd.s32 s0, s4;
	s0 =	simm.s32 $0xA000;
	s4 =	simm.s32 $0x4  }
.LBB2_4:
0x18: {  	_ =	swait.ge [sflag:s9], $0x4000  }
0x19: {  	[sflag:s9] =	ssyncset.done $0x0  }
0x1a: {  	s15 =	simm.s32 $0xC;
	s11 =	rddreg [dreg:$0x5];
	[sflag:s9] =	ssyncadd.s32 $0xFFFFC000  }
0x1b: {  	[hbm4b:s11+s3] =	stream.linear.scatter [tilespmem:s16], [sflag:$0x7], $0x4000, $0x38;
	[tilespmem:$0x1A000] =	vst v63  }
0x1c: {  	_ =	swait.ge [sflag:s15], $0x4000  }
0x1d: {  	[sflag:s15] =	ssyncset.done $0x0  }
0x1e: {  	[sflag:s15] =	ssyncadd.s32 $0xFFFFC000  }
0x1f: {  	_ =	swait.ge [sflag:s31], $0x4000  }
0x20: {  	[sflag:s31] =	ssyncset.done $0x0  }
0x21: {  	s28 =	rddreg [dreg:$0x6];
	[sflag:s31] =	ssyncadd.s32 $0xFFFFC000  }
0x22: {  	[hbm4b:s28+s3] =	stream.linear.scatter [tilespmem:s24], [sflag:$0x8], $0x4000, $0x38;
	[tilespmem:$0x1A000] =	vst v63  }
0x23: {  	_ =	swait.ge [sflag:s19], $0x4000  }
0x24: {  	[sflag:s19] =	ssyncset.done $0x0  }
0x25: {  	[sflag:s19] =	ssyncadd.s32 $0xFFFFC000  }
0x26: {  	_ =	swait.ge [sflag:s1], $0x4000  }
0x27: {  	[sflag:s1] =	ssyncset.done $0x0  }
0x28: {  	s12 =	rddreg [dreg:$0x7];
	[sflag:s1] =	ssyncadd.s32 $0xFFFFC000  }
0x29: {  	[hbm4b:s12+s3] =	stream.linear.scatter [tilespmem:s0], [sflag:$0x9], $0x4000, $0x38;
	[tilespmem:$0x1A000] =	vst v63  }
0x2a: {  	_ =	swait.ge [sflag:s20], $0x4000  }
0x2b: {  	[sflag:s20] =	ssyncset.done $0x0  }
0x2c: {  	[sflag:s20] =	ssyncadd.s32 $0xFFFFC000  }
0x2d: {  	_ =	swait.ge [sflag:s4], $0x4000  }
0x2e: {  	[sflag:s4] =	ssyncset.done $0x0  }
0x2f: {  	s15 =	rddreg [dreg:$0x8];
	[sflag:s4] =	ssyncadd.s32 $0xFFFFC000  }
0x30: {  	[hbm4b:s15+s3] =	stream.linear.scatter [tilespmem:s17], [sflag:$0xA], $0x4000, $0x38;
	[tilespmem:$0x1A000] =	vst v63  }
0x31: {  	_ =	swait.ge [sflag:s21], $0x4000  }
0x32: {  	[sflag:s21] =	ssyncset.done $0x0  }
0x33: {  	[sflag:s21] =	ssyncadd.s32 $0xFFFFC000  }
0x34: {  	_ =	swait.ge [sflag:s22], $0x4000  }
0x35: {  	s12 =	rddreg [dreg:$0xa]  }
0x36: {  	s28 =	rddreg [dreg:$0x9];
	s12 =	sadd.s32 $0x1, s12  }
0x37: {  	p0 =	sne.s32 s12, s28  }
.Ltmp1:
0x38: {  	_ = 	snop;
	(pc) =	sbr.rel @!p0 .LBB2_5-.Ltmp1, $3  }
0x39: {  	_ =	sdelay $0x1  }
0x3a: {  	[sflag:s22] =	ssyncset.done $0x0  }
0x3b: {  	[sflag:s22] =	ssyncadd.s32 $0xFFFFC000  }
.LBB2_1:
0x3c: {  	[dreg:$0xa] =	wrdreg s12  }
0x3d: {  	s11 =	rddreg [dreg:$0x4];
	s12 =	simm.s32 $0xD  }
0x3e: {  	[tilespmem:s3], [sflag:$0xD] =	stream.linear.gather [hbm4b:s11+s3], $0x2000, $0x38;
	[tilespmem:$0x1A000] =	vst v63  }
0x3f: {  	_ =	swait.ge [sflag:s12], $0x2000  }
0x40: {  	[sflag:s12] =	ssyncset.done $0x0  }
0x41: {  	[sflag:s12] =	ssyncadd.s32 $0xFFFFE000  }
0x42: {  	v3 =	vld [tilespmem:$0x0];
	_ =	sdelay $0x4  }
0x43: {  	v4 =	vshll.u32 v3, $0x3  }
0x44: {  	v3 =	vand.u32 $0x7, v3;
	v4 =	vand.u32 $0xFFFFFFC0, v4  }
0x45: {  	v3 =	vor.u32 v3, v4  }
0x46: {  	v4 =	vperm.xlane v3, v0;
	_ =	sdelay $0x1  }
0x47: {  	v4 =	vadd.s32 v1, v4;
	_ =	sdelay $0x4  }
0x48: {  	[tilespmem:s16], [sflag:$0x1] =	stream.indirect_vreg.gather [hbm4b:s2+s3], $0x80, v4, vm0, $0xb8;
	[tilespmem:$0x1A000] =	vst v63  }
0x49: {  	s15 =	simm.s32 $0x2800;
	v3 =	vperm.xlane v3, v2  }
0x4a: {  	[tilespmem:s15], [sflag:$0x1] =	stream.indirect_vreg.gather [hbm4b:s5+s3], $0x80, v4, vm0, $0xb8;
	[tilespmem:$0x1A000] =	vst v63  }
0x4b: {  	s28 =	simm.s32 $0x3000;
	v3 =	vadd.s32 v1, v3  }
0x4c: {  	[tilespmem:s28], [sflag:$0x1] =	stream.indirect_vreg.gather [hbm4b:s6+s3], $0x80, v4, vm0, $0xb8;
	[tilespmem:$0x1A000] =	vst v63  }
0x4d: {  	s12 =	simm.s32 $0x3800  }
0x4e: {  	[tilespmem:s12], [sflag:$0x1] =	stream.indirect_vreg.gather [hbm4b:s7+s3], $0x80, v4, vm0, $0xb8;
	[tilespmem:$0x1A000] =	vst v63  }
0x4f: {  	s15 =	simm.s32 $0x4000  }
0x50: {  	[tilespmem:s15], [sflag:$0x1] =	stream.indirect_vreg.gather [hbm4b:s2+s3], $0x80, v3, vm0, $0xb8;
	[tilespmem:$0x1A000] =	vst v63  }
0x51: {  	s28 =	simm.s32 $0x4800  }
0x52: {  	[tilespmem:s28], [sflag:$0x1] =	stream.indirect_vreg.gather [hbm4b:s5+s3], $0x80, v3, vm0, $0xb8;
	[tilespmem:$0x1A000] =	vst v63  }
0x53: {  	s12 =	simm.s32 $0x5000  }
0x54: {  	[tilespmem:s12], [sflag:$0x1] =	stream.indirect_vreg.gather [hbm4b:s6+s3], $0x80, v3, vm0, $0xb8;
	[tilespmem:$0x1A000] =	vst v63  }
0x55: {  	s15 =	simm.s32 $0x5800  }
0x56: {  	[tilespmem:s15], [sflag:$0x1] =	stream.indirect_vreg.gather [hbm4b:s7+s3], $0x80, v3, vm0, $0xb8;
	[tilespmem:$0x1A000] =	vst v63  }
0x57: {  	v3 =	vld [tilespmem:$0x80];
	_ =	sdelay $0x4  }
0x58: {  	v60 =	vshll.u32 v3, $0x3  }
0x59: {  	v3 =	vand.u32 $0x7, v3;
	v4 =	vand.u32 $0xFFFFFFC0, v60  }
0x5a: {  	v3 =	vor.u32 v3, v4  }
0x5b: {  	v4 =	vperm.xlane v3, v0;
	_ =	sdelay $0x1  }
0x5c: {  	v4 =	vadd.s32 v1, v4;
	_ =	sdelay $0x4  }
0x5d: {  	[tilespmem:s24], [sflag:$0x2] =	stream.indirect_vreg.gather [hbm4b:s2+s3], $0x80, v4, vm0, $0xb8;
	[tilespmem:$0x1A000] =	vst v63  }
0x5e: {  	s28 =	simm.s32 $0x6800;
	v3 =	vperm.xlane v3, v2  }
0x5f: {  	[tilespmem:s28], [sflag:$0x2] =	stream.indirect_vreg.gather [hbm4b:s5+s3], $0x80, v4, vm0, $0xb8;
	[tilespmem:$0x1A000] =	vst v63  }
0x60: {  	s12 =	simm.s32 $0x7000;
	v3 =	vadd.s32 v1, v3  }
0x61: {  	[tilespmem:s12], [sflag:$0x2] =	stream.indirect_vreg.gather [hbm4b:s6+s3], $0x80, v4, vm0, $0xb8;
	[tilespmem:$0x1A000] =	vst v63  }
0x62: {  	s15 =	simm.s32 $0x7800  }
0x63: {  	[tilespmem:s15], [sflag:$0x2] =	stream.indirect_vreg.gather [hbm4b:s7+s3], $0x80, v4, vm0, $0xb8;
	[tilespmem:$0x1A000] =	vst v63  }
0x64: {  	s28 =	simm.s32 $0x8000  }
0x65: {  	[tilespmem:s28], [sflag:$0x2] =	stream.indirect_vreg.gather [hbm4b:s2+s3], $0x80, v3, vm0, $0xb8;
	[tilespmem:$0x1A000] =	vst v63  }
0x66: {  	s12 =	simm.s32 $0x8800  }
0x67: {  	[tilespmem:s12], [sflag:$0x2] =	stream.indirect_vreg.gather [hbm4b:s5+s3], $0x80, v3, vm0, $0xb8;
	[tilespmem:$0x1A000] =	vst v63  }
0x68: {  	s15 =	simm.s32 $0x9000  }
0x69: {  	[tilespmem:s15], [sflag:$0x2] =	stream.indirect_vreg.gather [hbm4b:s6+s3], $0x80, v3, vm0, $0xb8;
	[tilespmem:$0x1A000] =	vst v63  }
0x6a: {  	s28 =	simm.s32 $0x9800  }
0x6b: {  	[tilespmem:s28], [sflag:$0x2] =	stream.indirect_vreg.gather [hbm4b:s7+s3], $0x80, v3, vm0, $0xb8;
	[tilespmem:$0x1A000] =	vst v63  }
0x6c: {  	v3 =	vld [tilespmem:$0x100];
	_ =	sdelay $0x4  }
0x6d: {  	v61 =	vshll.u32 v3, $0x3  }
0x6e: {  	v3 =	vand.u32 $0x7, v3;
	v4 =	vand.u32 $0xFFFFFFC0, v61  }
0x6f: {  	v3 =	vor.u32 v3, v4  }
0x70: {  	v4 =	vperm.xlane v3, v0;
	_ =	sdelay $0x1  }
0x71: {  	v4 =	vadd.s32 v1, v4;
	_ =	sdelay $0x4  }
0x72: {  	[tilespmem:s0], [sflag:$0x3] =	stream.indirect_vreg.gather [hbm4b:s2+s3], $0x80, v4, vm0, $0xb8;
	[tilespmem:$0x1A000] =	vst v63  }
0x73: {  	s12 =	simm.s32 $0xA800;
	v3 =	vperm.xlane v3, v2  }
0x74: {  	[tilespmem:s12], [sflag:$0x3] =	stream.indirect_vreg.gather [hbm4b:s5+s3], $0x80, v4, vm0, $0xb8;
	[tilespmem:$0x1A000] =	vst v63  }
0x75: {  	s15 =	simm.s32 $0xB000;
	v3 =	vadd.s32 v1, v3  }
0x76: {  	[tilespmem:s15], [sflag:$0x3] =	stream.indirect_vreg.gather [hbm4b:s6+s3], $0x80, v4, vm0, $0xb8;
	[tilespmem:$0x1A000] =	vst v63  }
0x77: {  	s28 =	simm.s32 $0xB800  }
0x78: {  	[tilespmem:s28], [sflag:$0x3] =	stream.indirect_vreg.gather [hbm4b:s7+s3], $0x80, v4, vm0, $0xb8;
	[tilespmem:$0x1A000] =	vst v63  }
0x79: {  	s12 =	simm.s32 $0xC000  }
0x7a: {  	[tilespmem:s12], [sflag:$0x3] =	stream.indirect_vreg.gather [hbm4b:s2+s3], $0x80, v3, vm0, $0xb8;
	[tilespmem:$0x1A000] =	vst v63  }
0x7b: {  	s15 =	simm.s32 $0xC800  }
0x7c: {  	[tilespmem:s15], [sflag:$0x3] =	stream.indirect_vreg.gather [hbm4b:s5+s3], $0x80, v3, vm0, $0xb8;
	[tilespmem:$0x1A000] =	vst v63  }
0x7d: {  	s28 =	simm.s32 $0xD000  }
0x7e: {  	[tilespmem:s28], [sflag:$0x3] =	stream.indirect_vreg.gather [hbm4b:s6+s3], $0x80, v3, vm0, $0xb8;
	[tilespmem:$0x1A000] =	vst v63  }
0x7f: {  	s12 =	simm.s32 $0xD800  }
0x80: {  	[tilespmem:s12], [sflag:$0x3] =	stream.indirect_vreg.gather [hbm4b:s7+s3], $0x80, v3, vm0, $0xb8;
	[tilespmem:$0x1A000] =	vst v63  }
0x81: {  	v3 =	vld [tilespmem:$0x180];
	_ =	sdelay $0x4  }
0x82: {  	v62 =	vshll.u32 v3, $0x3  }
0x83: {  	v3 =	vand.u32 $0x7, v3;
	v4 =	vand.u32 $0xFFFFFFC0, v62  }
0x84: {  	v3 =	vor.u32 v3, v4  }
0x85: {  	v4 =	vperm.xlane v3, v0;
	_ =	sdelay $0x1  }
0x86: {  	v4 =	vadd.s32 v1, v4;
	_ =	sdelay $0x4  }
0x87: {  	[tilespmem:s17], [sflag:$0x4] =	stream.indirect_vreg.gather [hbm4b:s2+s3], $0x80, v4, vm0, $0xb8;
	[tilespmem:$0x1A000] =	vst v63  }
0x88: {  	s15 =	simm.s32 $0xE800;
	v3 =	vperm.xlane v3, v2  }
0x89: {  	[tilespmem:s15], [sflag:$0x4] =	stream.indirect_vreg.gather [hbm4b:s5+s3], $0x80, v4, vm0, $0xb8;
	[tilespmem:$0x1A000] =	vst v63  }
0x8a: {  	s28 =	simm.s32 $0xF000;
	v3 =	vadd.s32 v1, v3  }
0x8b: {  	[tilespmem:s28], [sflag:$0x4] =	stream.indirect_vreg.gather [hbm4b:s6+s3], $0x80, v4, vm0, $0xb8;
	[tilespmem:$0x1A000] =	vst v63  }
0x8c: {  	s12 =	simm.s32 $0xF800  }
0x8d: {  	[tilespmem:s12], [sflag:$0x4] =	stream.indirect_vreg.gather [hbm4b:s7+s3], $0x80, v4, vm0, $0xb8;
	[tilespmem:$0x1A000] =	vst v63  }
0x8e: {  	s15 =	simm.s32 $0x10000  }
0x8f: {  	[tilespmem:s15], [sflag:$0x4] =	stream.indirect_vreg.gather [hbm4b:s2+s3], $0x80, v3, vm0, $0xb8;
	[tilespmem:$0x1A000] =	vst v63  }
0x90: {  	s28 =	simm.s32 $0x10800  }
0x91: {  	[tilespmem:s28], [sflag:$0x4] =	stream.indirect_vreg.gather [hbm4b:s5+s3], $0x80, v3, vm0, $0xb8;
	[tilespmem:$0x1A000] =	vst v63  }
0x92: {  	s12 =	simm.s32 $0x11000  }
0x93: {  	[tilespmem:s12], [sflag:$0x4] =	stream.indirect_vreg.gather [hbm4b:s6+s3], $0x80, v3, vm0, $0xb8;
	[tilespmem:$0x1A000] =	vst v63  }
0x94: {  	s15 =	simm.s32 $0x11800  }
0x95: {  	[tilespmem:s15], [sflag:$0x4] =	stream.indirect_vreg.gather [hbm4b:s7+s3], $0x80, v3, vm0, $0xb8;
	[tilespmem:$0x1A000] =	vst v63  }
0x96: {  	v3 =	vld [tilespmem:$0x200];
	_ =	sdelay $0x4  }
0x97: {  	v63 =	vshll.u32 v3, $0x3  }
0x98: {  	v3 =	vand.u32 $0x7, v3;
	v4 =	vand.u32 $0xFFFFFFC0, v63  }
0x99: {  	v3 =	vor.u32 v3, v4  }
0x9a: {  	v4 =	vperm.xlane v3, v0;
	_ =	sdelay $0x1  }
0x9b: {  	v4 =	vadd.s32 v1, v4;
	_ =	sdelay $0x4  }
0x9c: {  	[tilespmem:s26], [sflag:$0x5] =	stream.indirect_vreg.gather [hbm4b:s2+s3], $0x80, v4, vm0, $0xb8;
	[tilespmem:$0x1A000] =	vst v63  }
0x9d: {  	s28 =	simm.s32 $0x12800;
	v3 =	vperm.xlane v3, v2  }
0x9e: {  	[tilespmem:s28], [sflag:$0x5] =	stream.indirect_vreg.gather [hbm4b:s5+s3], $0x80, v4, vm0, $0xb8;
	[tilespmem:$0x1A000] =	vst v63  }
0x9f: {  	s12 =	simm.s32 $0x13000;
	v3 =	vadd.s32 v1, v3  }
0xa0: {  	[tilespmem:s12], [sflag:$0x5] =	stream.indirect_vreg.gather [hbm4b:s6+s3], $0x80, v4, vm0, $0xb8;
	[tilespmem:$0x1A000] =	vst v63  }
0xa1: {  	s15 =	simm.s32 $0x13800  }
0xa2: {  	[tilespmem:s15], [sflag:$0x5] =	stream.indirect_vreg.gather [hbm4b:s7+s3], $0x80, v4, vm0, $0xb8;
	[tilespmem:$0x1A000] =	vst v63  }
0xa3: {  	s28 =	simm.s32 $0x14000  }
0xa4: {  	[tilespmem:s28], [sflag:$0x5] =	stream.indirect_vreg.gather [hbm4b:s2+s3], $0x80, v3, vm0, $0xb8;
	[tilespmem:$0x1A000] =	vst v63  }
0xa5: {  	s12 =	simm.s32 $0x14800  }
0xa6: {  	[tilespmem:s12], [sflag:$0x5] =	stream.indirect_vreg.gather [hbm4b:s5+s3], $0x80, v3, vm0, $0xb8;
	[tilespmem:$0x1A000] =	vst v63  }
0xa7: {  	s15 =	simm.s32 $0x15000  }
0xa8: {  	[tilespmem:s15], [sflag:$0x5] =	stream.indirect_vreg.gather [hbm4b:s6+s3], $0x80, v3, vm0, $0xb8;
	[tilespmem:$0x1A000] =	vst v63  }
0xa9: {  	s11 =	simm.s32 $0x500;
	s28 =	simm.s32 $0x15800;
	s12 =	simm.s32 $0x0  }
0xaa: {  	[tilespmem:s28], [sflag:$0x5] =	stream.indirect_vreg.gather [hbm4b:s7+s3], $0x80, v3, vm0, $0xb8;
	[tilespmem:$0x1A000] =	vst v63  }
.LBB2_2:
0xab: {  	_ =	swait.ge [sflag:s9], $0x4000  }
0xac: {  	p0 =	seq.s32 s12, $0x0;
	[sflag:s9] =	ssyncset.done $0x0  }
0xad: {  	s28 =	sadd.s32 s12, s14;
	s15 =	simm.s32 @!p0 $0xC;
	[sflag:s9] =	ssyncadd.s32 $0xFFFFC000  }
0xae: {  	[hbm4b:s28+s3] =	stream.linear.scatter [tilespmem:s16], [sflag:$0x7], $0x4000, $0x38;
	[tilespmem:$0x1A000] =	vst v63  }
0xaf: {  	_ =	swait.ge @!p0 [sflag:s15], $0x4000  }
0xb0: {  	[sflag:s15] =	ssyncset.done @!p0 $0x0  }
0xb1: {  	[sflag:s15] =	ssyncadd.s32 @!p0 $0xFFFFC000  }
0xb2: {  	v3 =	vld [tilespmem:s11+$0xFFFFFD80];
	_ =	sdelay $0x4  }
0xb3: {  	v4 =	vshll.u32 v3, $0x3  }
0xb4: {  	v3 =	vand.u32 $0x7, v3;
	v4 =	vand.u32 $0xFFFFFFC0, v4  }
0xb5: {  	v3 =	vor.u32 v3, v4  }
0xb6: {  	v4 =	vperm.xlane v3, v0;
	_ =	sdelay $0x1  }
0xb7: {  	v4 =	vadd.s32 v1, v4;
	_ =	sdelay $0x4  }
0xb8: {  	[tilespmem:s10], [sflag:$0x6] =	stream.indirect_vreg.gather [hbm4b:s2+s3], $0x80, v4, vm0, $0xb8;
	[tilespmem:$0x1A000] =	vst v63  }
0xb9: {  	s15 =	simm.s32 $0x16800;
	v3 =	vperm.xlane v3, v2  }
0xba: {  	[tilespmem:s15], [sflag:$0x6] =	stream.indirect_vreg.gather [hbm4b:s5+s3], $0x80, v4, vm0, $0xb8;
	[tilespmem:$0x1A000] =	vst v63  }
0xbb: {  	v3 =	vadd.s32 v1, v3;
	s15 =	simm.s32 $0x17000  }
0xbc: {  	[tilespmem:s15], [sflag:$0x6] =	stream.indirect_vreg.gather [hbm4b:s6+s3], $0x80, v4, vm0, $0xb8;
	[tilespmem:$0x1A000] =	vst v63  }
0xbd: {  	s15 =	simm.s32 $0x17800  }
0xbe: {  	[tilespmem:s15], [sflag:$0x6] =	stream.indirect_vreg.gather [hbm4b:s7+s3], $0x80, v4, vm0, $0xb8;
	[tilespmem:$0x1A000] =	vst v63  }
0xbf: {  	s15 =	simm.s32 $0x18000  }
0xc0: {  	[tilespmem:s15], [sflag:$0x6] =	stream.indirect_vreg.gather [hbm4b:s2+s3], $0x80, v3, vm0, $0xb8;
	[tilespmem:$0x1A000] =	vst v63  }
0xc1: {  	_ = 	snop  }
0xc2: {  	[tilespmem:s29], [sflag:$0x6] =	stream.indirect_vreg.gather [hbm4b:s5+s3], $0x80, v3, vm0, $0xb8;
	[tilespmem:$0x1A000] =	vst v63  }
0xc3: {  	_ = 	snop  }
0xc4: {  	[tilespmem:s30], [sflag:$0x6] =	stream.indirect_vreg.gather [hbm4b:s6+s3], $0x80, v3, vm0, $0xb8;
	[tilespmem:$0x1A000] =	vst v63  }
0xc5: {  	_ = 	snop  }
0xc6: {  	[tilespmem:s18], [sflag:$0x6] =	stream.indirect_vreg.gather [hbm4b:s7+s3], $0x80, v3, vm0, $0xb8;
	[tilespmem:$0x1A000] =	vst v63  }
0xc7: {  	_ =	swait.ge [sflag:s31], $0x4000  }
0xc8: {  	[sflag:s31] =	ssyncset.done $0x0  }
0xc9: {  	s15 =	sadd.s32 s12, s13;
	[sflag:s31] =	ssyncadd.s32 $0xFFFFC000  }
0xca: {  	[hbm4b:s15+s3] =	stream.linear.scatter [tilespmem:s24], [sflag:$0x8], $0x4000, $0x38;
	[tilespmem:$0x1A000] =	vst v63  }
0xcb: {  	_ =	swait.ge [sflag:s19], $0x4000  }
0xcc: {  	[sflag:s19] =	ssyncset.done $0x0  }
0xcd: {  	[sflag:s19] =	ssyncadd.s32 $0xFFFFC000  }
0xce: {  	v3 =	vld [tilespmem:s11+$0xFFFFFE00];
	_ =	sdelay $0x4  }
0xcf: {  	v60 =	vshll.u32 v3, $0x3  }
0xd0: {  	v3 =	vand.u32 $0x7, v3;
	v4 =	vand.u32 $0xFFFFFFC0, v60  }
0xd1: {  	v3 =	vor.u32 v3, v4  }
0xd2: {  	v4 =	vperm.xlane v3, v0;
	_ =	sdelay $0x1  }
0xd3: {  	v4 =	vadd.s32 v1, v4;
	_ =	sdelay $0x4  }
0xd4: {  	[tilespmem:s16], [sflag:$0x1] =	stream.indirect_vreg.gather [hbm4b:s2+s3], $0x80, v4, vm0, $0xb8;
	[tilespmem:$0x1A000] =	vst v63  }
0xd5: {  	s15 =	simm.s32 $0x2800;
	v3 =	vperm.xlane v3, v2  }
0xd6: {  	[tilespmem:s15], [sflag:$0x1] =	stream.indirect_vreg.gather [hbm4b:s5+s3], $0x80, v4, vm0, $0xb8;
	[tilespmem:$0x1A000] =	vst v63  }
0xd7: {  	v3 =	vadd.s32 v1, v3;
	s15 =	simm.s32 $0x3000  }
0xd8: {  	[tilespmem:s15], [sflag:$0x1] =	stream.indirect_vreg.gather [hbm4b:s6+s3], $0x80, v4, vm0, $0xb8;
	[tilespmem:$0x1A000] =	vst v63  }
0xd9: {  	s15 =	simm.s32 $0x3800  }
0xda: {  	[tilespmem:s15], [sflag:$0x1] =	stream.indirect_vreg.gather [hbm4b:s7+s3], $0x80, v4, vm0, $0xb8;
	[tilespmem:$0x1A000] =	vst v63  }
0xdb: {  	s15 =	simm.s32 $0x4000  }
0xdc: {  	[tilespmem:s15], [sflag:$0x1] =	stream.indirect_vreg.gather [hbm4b:s2+s3], $0x80, v3, vm0, $0xb8;
	[tilespmem:$0x1A000] =	vst v63  }
0xdd: {  	s15 =	simm.s32 $0x4800  }
0xde: {  	[tilespmem:s15], [sflag:$0x1] =	stream.indirect_vreg.gather [hbm4b:s5+s3], $0x80, v3, vm0, $0xb8;
	[tilespmem:$0x1A000] =	vst v63  }
0xdf: {  	s15 =	simm.s32 $0x5000  }
0xe0: {  	[tilespmem:s15], [sflag:$0x1] =	stream.indirect_vreg.gather [hbm4b:s6+s3], $0x80, v3, vm0, $0xb8;
	[tilespmem:$0x1A000] =	vst v63  }
0xe1: {  	s15 =	simm.s32 $0x5800  }
0xe2: {  	[tilespmem:s15], [sflag:$0x1] =	stream.indirect_vreg.gather [hbm4b:s7+s3], $0x80, v3, vm0, $0xb8;
	[tilespmem:$0x1A000] =	vst v63  }
0xe3: {  	_ =	swait.ge [sflag:s1], $0x4000  }
0xe4: {  	[sflag:s1] =	ssyncset.done $0x0  }
0xe5: {  	s15 =	sadd.s32 $0x1000, s28;
	[sflag:s1] =	ssyncadd.s32 $0xFFFFC000  }
0xe6: {  	[hbm4b:s15+s3] =	stream.linear.scatter [tilespmem:s0], [sflag:$0x9], $0x4000, $0x38;
	[tilespmem:$0x1A000] =	vst v63  }
0xe7: {  	_ =	swait.ge [sflag:s20], $0x4000  }
0xe8: {  	[sflag:s20] =	ssyncset.done $0x0  }
0xe9: {  	[sflag:s20] =	ssyncadd.s32 $0xFFFFC000  }
0xea: {  	v3 =	vld [tilespmem:s11+$0xFFFFFE80];
	_ =	sdelay $0x4  }
0xeb: {  	v61 =	vshll.u32 v3, $0x3  }
0xec: {  	v3 =	vand.u32 $0x7, v3;
	v4 =	vand.u32 $0xFFFFFFC0, v61  }
0xed: {  	v3 =	vor.u32 v3, v4  }
0xee: {  	v4 =	vperm.xlane v3, v0;
	_ =	sdelay $0x1  }
0xef: {  	v4 =	vadd.s32 v1, v4;
	_ =	sdelay $0x4  }
0xf0: {  	[tilespmem:s24], [sflag:$0x2] =	stream.indirect_vreg.gather [hbm4b:s2+s3], $0x80, v4, vm0, $0xb8;
	[tilespmem:$0x1A000] =	vst v63  }
0xf1: {  	s15 =	simm.s32 $0x6800;
	v3 =	vperm.xlane v3, v2  }
0xf2: {  	[tilespmem:s15], [sflag:$0x2] =	stream.indirect_vreg.gather [hbm4b:s5+s3], $0x80, v4, vm0, $0xb8;
	[tilespmem:$0x1A000] =	vst v63  }
0xf3: {  	v3 =	vadd.s32 v1, v3;
	s15 =	simm.s32 $0x7000  }
0xf4: {  	[tilespmem:s15], [sflag:$0x2] =	stream.indirect_vreg.gather [hbm4b:s6+s3], $0x80, v4, vm0, $0xb8;
	[tilespmem:$0x1A000] =	vst v63  }
0xf5: {  	s15 =	simm.s32 $0x7800  }
0xf6: {  	[tilespmem:s15], [sflag:$0x2] =	stream.indirect_vreg.gather [hbm4b:s7+s3], $0x80, v4, vm0, $0xb8;
	[tilespmem:$0x1A000] =	vst v63  }
0xf7: {  	s15 =	simm.s32 $0x8000  }
0xf8: {  	[tilespmem:s15], [sflag:$0x2] =	stream.indirect_vreg.gather [hbm4b:s2+s3], $0x80, v3, vm0, $0xb8;
	[tilespmem:$0x1A000] =	vst v63  }
0xf9: {  	s15 =	simm.s32 $0x8800  }
0xfa: {  	[tilespmem:s15], [sflag:$0x2] =	stream.indirect_vreg.gather [hbm4b:s5+s3], $0x80, v3, vm0, $0xb8;
	[tilespmem:$0x1A000] =	vst v63  }
0xfb: {  	s15 =	simm.s32 $0x9000  }
0xfc: {  	[tilespmem:s15], [sflag:$0x2] =	stream.indirect_vreg.gather [hbm4b:s6+s3], $0x80, v3, vm0, $0xb8;
	[tilespmem:$0x1A000] =	vst v63  }
0xfd: {  	s15 =	simm.s32 $0x9800  }
0xfe: {  	[tilespmem:s15], [sflag:$0x2] =	stream.indirect_vreg.gather [hbm4b:s7+s3], $0x80, v3, vm0, $0xb8;
	[tilespmem:$0x1A000] =	vst v63  }
0xff: {  	_ =	swait.ge [sflag:s4], $0x4000  }
0x100: {  	[sflag:s4] =	ssyncset.done $0x0  }
0x101: {  	s15 =	sadd.s32 $0x1800, s28;
	[sflag:s4] =	ssyncadd.s32 $0xFFFFC000  }
0x102: {  	[hbm4b:s15+s3] =	stream.linear.scatter [tilespmem:s17], [sflag:$0xA], $0x4000, $0x38;
	[tilespmem:$0x1A000] =	vst v63  }
0x103: {  	_ =	swait.ge [sflag:s21], $0x4000  }
0x104: {  	[sflag:s21] =	ssyncset.done $0x0  }
0x105: {  	[sflag:s21] =	ssyncadd.s32 $0xFFFFC000  }
0x106: {  	v3 =	vld [tilespmem:s11+$0xFFFFFF00];
	_ =	sdelay $0x4  }
0x107: {  	v62 =	vshll.u32 v3, $0x3  }
0x108: {  	v3 =	vand.u32 $0x7, v3;
	v4 =	vand.u32 $0xFFFFFFC0, v62  }
0x109: {  	v3 =	vor.u32 v3, v4  }
0x10a: {  	v4 =	vperm.xlane v3, v0;
	_ =	sdelay $0x1  }
0x10b: {  	v4 =	vadd.s32 v1, v4;
	_ =	sdelay $0x4  }
0x10c: {  	[tilespmem:s0], [sflag:$0x3] =	stream.indirect_vreg.gather [hbm4b:s2+s3], $0x80, v4, vm0, $0xb8;
	[tilespmem:$0x1A000] =	vst v63  }
0x10d: {  	s15 =	simm.s32 $0xA800;
	v3 =	vperm.xlane v3, v2  }
0x10e: {  	[tilespmem:s15], [sflag:$0x3] =	stream.indirect_vreg.gather [hbm4b:s5+s3], $0x80, v4, vm0, $0xb8;
	[tilespmem:$0x1A000] =	vst v63  }
0x10f: {  	v3 =	vadd.s32 v1, v3;
	s15 =	simm.s32 $0xB000  }
0x110: {  	[tilespmem:s15], [sflag:$0x3] =	stream.indirect_vreg.gather [hbm4b:s6+s3], $0x80, v4, vm0, $0xb8;
	[tilespmem:$0x1A000] =	vst v63  }
0x111: {  	s15 =	simm.s32 $0xB800  }
0x112: {  	[tilespmem:s15], [sflag:$0x3] =	stream.indirect_vreg.gather [hbm4b:s7+s3], $0x80, v4, vm0, $0xb8;
	[tilespmem:$0x1A000] =	vst v63  }
0x113: {  	s15 =	simm.s32 $0xC000  }
0x114: {  	[tilespmem:s15], [sflag:$0x3] =	stream.indirect_vreg.gather [hbm4b:s2+s3], $0x80, v3, vm0, $0xb8;
	[tilespmem:$0x1A000] =	vst v63  }
0x115: {  	s15 =	simm.s32 $0xC800  }
0x116: {  	[tilespmem:s15], [sflag:$0x3] =	stream.indirect_vreg.gather [hbm4b:s5+s3], $0x80, v3, vm0, $0xb8;
	[tilespmem:$0x1A000] =	vst v63  }
0x117: {  	s15 =	simm.s32 $0xD000  }
0x118: {  	[tilespmem:s15], [sflag:$0x3] =	stream.indirect_vreg.gather [hbm4b:s6+s3], $0x80, v3, vm0, $0xb8;
	[tilespmem:$0x1A000] =	vst v63  }
0x119: {  	s15 =	simm.s32 $0xD800  }
0x11a: {  	[tilespmem:s15], [sflag:$0x3] =	stream.indirect_vreg.gather [hbm4b:s7+s3], $0x80, v3, vm0, $0xb8;
	[tilespmem:$0x1A000] =	vst v63  }
0x11b: {  	_ =	swait.ge [sflag:s8], $0x4000  }
0x11c: {  	[sflag:s8] =	ssyncset.done $0x0  }
0x11d: {  	s15 =	sadd.s32 $0x2000, s28;
	[sflag:s8] =	ssyncadd.s32 $0xFFFFC000  }
0x11e: {  	[hbm4b:s15+s3] =	stream.linear.scatter [tilespmem:s26], [sflag:$0xB], $0x4000, $0x38;
	[tilespmem:$0x1A000] =	vst v63  }
0x11f: {  	_ =	swait.ge [sflag:s22], $0x4000  }
0x120: {  	[sflag:s22] =	ssyncset.done $0x0  }
0x121: {  	[sflag:s22] =	ssyncadd.s32 $0xFFFFC000  }
0x122: {  	v3 =	vld [tilespmem:s11+$0xFFFFFF80];
	_ =	sdelay $0x4  }
0x123: {  	v63 =	vshll.u32 v3, $0x3  }
0x124: {  	v3 =	vand.u32 $0x7, v3;
	v4 =	vand.u32 $0xFFFFFFC0, v63  }
0x125: {  	v3 =	vor.u32 v3, v4  }
0x126: {  	v4 =	vperm.xlane v3, v0;
	_ =	sdelay $0x1  }
0x127: {  	v4 =	vadd.s32 v1, v4;
	_ =	sdelay $0x4  }
0x128: {  	[tilespmem:s17], [sflag:$0x4] =	stream.indirect_vreg.gather [hbm4b:s2+s3], $0x80, v4, vm0, $0xb8;
	[tilespmem:$0x1A000] =	vst v63  }
0x129: {  	s15 =	simm.s32 $0xE800;
	v3 =	vperm.xlane v3, v2  }
0x12a: {  	[tilespmem:s15], [sflag:$0x4] =	stream.indirect_vreg.gather [hbm4b:s5+s3], $0x80, v4, vm0, $0xb8;
	[tilespmem:$0x1A000] =	vst v63  }
0x12b: {  	v3 =	vadd.s32 v1, v3;
	s15 =	simm.s32 $0xF000  }
0x12c: {  	[tilespmem:s15], [sflag:$0x4] =	stream.indirect_vreg.gather [hbm4b:s6+s3], $0x80, v4, vm0, $0xb8;
	[tilespmem:$0x1A000] =	vst v63  }
0x12d: {  	s15 =	simm.s32 $0xF800  }
0x12e: {  	[tilespmem:s15], [sflag:$0x4] =	stream.indirect_vreg.gather [hbm4b:s7+s3], $0x80, v4, vm0, $0xb8;
	[tilespmem:$0x1A000] =	vst v63  }
0x12f: {  	s15 =	simm.s32 $0x10000  }
0x130: {  	[tilespmem:s15], [sflag:$0x4] =	stream.indirect_vreg.gather [hbm4b:s2+s3], $0x80, v3, vm0, $0xb8;
	[tilespmem:$0x1A000] =	vst v63  }
0x131: {  	s15 =	simm.s32 $0x10800  }
0x132: {  	[tilespmem:s15], [sflag:$0x4] =	stream.indirect_vreg.gather [hbm4b:s5+s3], $0x80, v3, vm0, $0xb8;
	[tilespmem:$0x1A000] =	vst v63  }
0x133: {  	s15 =	simm.s32 $0x11000  }
0x134: {  	[tilespmem:s15], [sflag:$0x4] =	stream.indirect_vreg.gather [hbm4b:s6+s3], $0x80, v3, vm0, $0xb8;
	[tilespmem:$0x1A000] =	vst v63  }
0x135: {  	s15 =	simm.s32 $0x11800  }
0x136: {  	[tilespmem:s15], [sflag:$0x4] =	stream.indirect_vreg.gather [hbm4b:s7+s3], $0x80, v3, vm0, $0xb8;
	[tilespmem:$0x1A000] =	vst v63  }
0x137: {  	_ =	swait.ge [sflag:s23], $0x4000  }
0x138: {  	p0 =	seq.s32 s12, $0x1B000;
	[sflag:s23] =	ssyncset.done $0x0  }
.Ltmp2:
0x139: {  	s28 =	sadd.s32 $0x2800, s28;
	[sflag:s23] =	ssyncadd.s32 $0xFFFFC000;
	(pc) =	sbr.rel @p0 .LBB2_4-.Ltmp2, $4  }
0x13a: {  	[hbm4b:s28+s3] =	stream.linear.scatter [tilespmem:s10], [sflag:$0xC], $0x4000, $0x38;
	[tilespmem:$0x1A000] =	vst v63  }
0x13b: {  	_ =	swait.ge [sflag:s25], $0x4000  }
0x13c: {  	[sflag:s25] =	ssyncset.done $0x0  }
0x13d: {  	[sflag:s25] =	ssyncadd.s32 $0xFFFFC000  }
0x13e: {  	v3 =	vld [tilespmem:s11+$0x0];
	_ =	sdelay $0x4  }
0x13f: {  	v4 =	vshll.u32 v3, $0x3  }
0x140: {  	v3 =	vand.u32 $0x7, v3;
	v4 =	vand.u32 $0xFFFFFFC0, v4  }
0x141: {  	v3 =	vor.u32 v3, v4  }
0x142: {  	v4 =	vperm.xlane v3, v0;
	_ =	sdelay $0x1  }
0x143: {  	v4 =	vadd.s32 v1, v4;
	_ =	sdelay $0x4  }
0x144: {  	[tilespmem:s26], [sflag:$0x5] =	stream.indirect_vreg.gather [hbm4b:s2+s3], $0x80, v4, vm0, $0xb8;
	[tilespmem:$0x1A000] =	vst v63  }
0x145: {  	s15 =	simm.s32 $0x12800;
	v3 =	vperm.xlane v3, v2  }
0x146: {  	[tilespmem:s15], [sflag:$0x5] =	stream.indirect_vreg.gather [hbm4b:s5+s3], $0x80, v4, vm0, $0xb8;
	[tilespmem:$0x1A000] =	vst v63  }
0x147: {  	s28 =	simm.s32 $0x13000;
	v3 =	vadd.s32 v1, v3  }
0x148: {  	[tilespmem:s28], [sflag:$0x5] =	stream.indirect_vreg.gather [hbm4b:s6+s3], $0x80, v4, vm0, $0xb8;
	[tilespmem:$0x1A000] =	vst v63  }
0x149: {  	s28 =	simm.s32 $0x13800  }
0x14a: {  	[tilespmem:s28], [sflag:$0x5] =	stream.indirect_vreg.gather [hbm4b:s7+s3], $0x80, v4, vm0, $0xb8;
	[tilespmem:$0x1A000] =	vst v63  }
0x14b: {  	s28 =	simm.s32 $0x14000  }
0x14c: {  	[tilespmem:s28], [sflag:$0x5] =	stream.indirect_vreg.gather [hbm4b:s2+s3], $0x80, v3, vm0, $0xb8;
	[tilespmem:$0x1A000] =	vst v63  }
0x14d: {  	s28 =	simm.s32 $0x14800  }
0x14e: {  	[tilespmem:s28], [sflag:$0x5] =	stream.indirect_vreg.gather [hbm4b:s5+s3], $0x80, v3, vm0, $0xb8;
	[tilespmem:$0x1A000] =	vst v63  }
.Ltmp3:
0x14f: {  	_ = 	snop;
	(pc) =	sbr.rel .LBB2_2-.Ltmp3, $4  }
0x150: {  	s28 =	simm.s32 $0x15000  }
0x151: {  	[tilespmem:s28], [sflag:$0x5] =	stream.indirect_vreg.gather [hbm4b:s6+s3], $0x80, v3, vm0, $0xb8;
	[tilespmem:$0x1A000] =	vst v63  }
0x152: {  	s12 =	sadd.s32 $0x3000, s12;
	s11 =	sadd.s32 $0x300, s11;
	s28 =	simm.s32 $0x15800  }
0x153: {  	[tilespmem:s28], [sflag:$0x5] =	stream.indirect_vreg.gather [hbm4b:s7+s3], $0x80, v3, vm0, $0xb8;
	[tilespmem:$0x1A000] =	vst v63  }
.LBB2_5:
0x154: {  	_ =	sfence.sel $0x180000  }
0x155: {  	[bflag:$0x0] =	sbarrier.arrive $0xFFFF  }
0x156: {  	_ =	strace $0x90000047  }
0x157: {  	s0 =	stileid.u32;
	[bflag:$0x2] =	sbarrier.arrive $0xFFFF  }
0x158: {  	p0 =	sne.s32 s0, $0x0;
	s0 =	rddreg [dreg:$0x3]  }
0x159: {  	s0 =	sadd.s32 @!p0 $0x100000, s0  }
0x15a: {  	[sflag:s0] =	ssyncadd.tile.s32 @!p0 $0x1;
	_ =	shalt  }
.Lfunc_end2:
_tile_overlayer_lowered:
.L_overlay_start_2:
0x15b: {  	(tag) =	ssettag $0x2  }
0x15c: {  	s0 =	rddreg [dreg:$0x0];
	s2 =	stileid.u32  }
0x15d: {  	s1 =	rddreg [dreg:$0x1];
	p0 =	sne.s32 s2, $0x0  }
0x15e: {  	s3 =	rddreg [dreg:$0x2];
	[bflag:$0x3] =	sbarrier.arrive $0xFFFF;
	s2 =	simm.s32 @!p0 $0x1C0D  }
0x15f: {  	[timem:s3], [sflag:s2] =	dma.local @!p0 [hbm:s0], s1  }
0x160: {  	s0 =	simm.s32 @!p0 $0xD  }
0x161: {  	_ =	swait.ge @!p0 [sflag:s0], s1  }
0x162: {  	s1 =	ssub.s32 @!p0 $0x0, s1;
	[sflag:s0] =	ssyncset.done @!p0 $0x0  }
0x163: {  	[sflag:s0] =	ssyncadd.s32 @!p0 s1  }
0x164: {  	[bflag:$0x3] =	sbarrier.arrive $0xFFFF  }
0x165: {  	_ =	shalt  }

</sc_bundles>
